<compile_context>
chip_gen: v7x
topology: tpu7x:2x2x1
jax: 0.10.2.dev20260603
libtpu: 0.0.44.dev20260713+nightly
codegen_flags: <defaults>
</compile_context>

<pallas_src>
import functools

import jax
import jax.numpy as jnp
import numpy as np
from jax import lax
from jax.experimental import pallas as pl
from jax.experimental.pallas import tpu as pltpu
from jax.experimental.pallas import tpu_sc as plsc

B = 4
S = 4096
HID = 1024
V = 100000
NH = 4
HD = 128
K = 3
MOD = V - 1
EPS = 1e-6
T = B * S
T8 = 8 * T
R32 = (1 << 32) % MOD
R31 = (1 << 31) % MOD



def _hash_constants():
    max_int = (1 << 31) - 1
    tables = []
    for n in (2, 3):
        for h in range(NH):
            base = 17 + 10007 * 1 + 1543 * (n + 1) + 8191 * (h + 1)
            mults = []
            for pos in range(n):
                v = (base + 32771 * (pos + 1) + 65537 * (h + 1) * (pos + 1)) % max_int
                m = v * 2 + 1
                mults.append((m & 0xFFFF, (m >> 16) & 0xFFFF))
            off = (base * 48271 + 97 * (n + h + 1)) % max_int
            tables.append((n, mults, off))
    return tables


_TABLES = _hash_constants()


def _mul64(x, mlo, mhi):
    p1 = x * jnp.int32(mlo)
    p2 = x * jnp.int32(mhi)
    a = lax.shift_left(p2 & jnp.int32(0xFFFF), jnp.int32(16))
    lo = a + p1
    carry = lax.shift_right_logical((a & p1) | ((a | p1) & ~lo), jnp.int32(31))
    hi = lax.shift_right_logical(p2, jnp.int32(16)) + carry
    return hi, lo


def _hash_body(i0_ref, i1_ref, i2_ref, out_ref):
    x0 = i0_ref[...]
    x1 = i1_ref[...]
    x2 = i2_ref[...]
    r = lax.broadcasted_iota(jnp.int32, x0.shape, 0)
    c = lax.broadcasted_iota(jnp.int32, x0.shape, 1)
    spos = (r % jnp.int32(S // 128)) * jnp.int32(128) + c
    for tbl, (n, mults, off) in enumerate(_TABLES):
        xs = (x1, x0) if n == 2 else (x2, x1, x0)
        hi, lo = _mul64(xs[0], *mults[0])
        for pos in range(1, n):
            h2, l2 = _mul64(xs[pos], *mults[pos])
            hi = hi ^ h2
            lo = lo ^ l2
        offv = jnp.int32(off)
        lo2 = lo + offv
        carry = lax.shift_right_logical((lo & offv) | ((lo | offv) & ~lo2), jnp.int32(31))
        hi = hi + carry
        neg = lax.shift_right_logical(lo2, jnp.int32(31))
        lo_m = (lo2 & jnp.int32(0x7FFFFFFF)) % jnp.int32(MOD) + neg * jnp.int32(R31)
        total = hi * jnp.int32(R32) + lo_m
        hval = total % jnp.int32(MOD) + jnp.int32(1)
        idx = jnp.where(spos >= n - 1, hval, jnp.int32(0)) + jnp.int32(tbl * V)
        out_ref[tbl] = idx


def _hash_ids(i0, i1, i2):
    return pl.pallas_call(
        _hash_body,
        out_shape=jax.ShapeDtypeStruct((8, T // 128, 128), jnp.int32),
    )(i0, i1, i2)



_NC = 2
_NS = 16
_NW = _NC * _NS
_CHUNK = 128
_RPW = T8 // _NW
_NCH = _RPW // _CHUNK

def _sc_gather_body(idx_hbm, table_hbm, out_hbm, idx_v, rows_v, gsem, wsem):
    wid = (lax.axis_index("s") * jnp.int32(_NC)
           + lax.axis_index("c")).astype(jnp.int32)
    pltpu.sync_copy(idx_hbm.at[pl.ds(wid * jnp.int32(_NCH), _NCH)], idx_v)
    pltpu.async_copy(table_hbm.at[idx_v.at[0]], rows_v.at[0], gsem)

    def chunk_body(i, carry):
        slot = i & jnp.int32(1)
        nslot = slot ^ jnp.int32(1)
        base = wid * jnp.int32(_RPW) + i * jnp.int32(_CHUNK)
        pltpu.make_async_copy(
            table_hbm.at[idx_v.at[i]], rows_v.at[slot], gsem).wait()
        @pl.when(i >= jnp.int32(1))
        def _():
            pltpu.make_async_copy(
                rows_v.at[nslot], out_hbm.at[pl.ds(base, _CHUNK)], wsem).wait()
        @pl.when(i < jnp.int32(_NCH - 1))
        def _():
            pltpu.async_copy(
                table_hbm.at[idx_v.at[i + jnp.int32(1)]], rows_v.at[nslot], gsem)
        pltpu.async_copy(rows_v.at[slot], out_hbm.at[pl.ds(base, _CHUNK)], wsem)
        return carry

    lax.fori_loop(np.int32(0), np.int32(_NCH), chunk_body, None)
    pltpu.make_async_copy(
        rows_v.at[0], out_hbm.at[pl.ds(0, _CHUNK)], wsem).wait()


@functools.cache
def _sc_gather():
    mesh = plsc.VectorSubcoreMesh(
        core_axis_name="c", subcore_axis_name="s", num_cores=_NC, num_subcores=_NS
    )
    return pl.kernel(
        _sc_gather_body,
        mesh=mesh,
        out_type=jax.ShapeDtypeStruct((T8, HD), jnp.float32),
        scratch_types=[
            pltpu.VMEM((_NCH, _CHUNK), jnp.int32),
            pltpu.VMEM((2, _CHUNK, HD), jnp.float32),
            pltpu.SemaphoreType.DMA,
            pltpu.SemaphoreType.DMA,
        ],
    )



_BS = 512


def _dense_body(mem_ref, xc_ref, xp_ref, wkt_ref, wvt_ref, knw_ref, vnw_ref,
                cw_ref, gb_ref, out_ref):
    s = pl.program_id(1)
    xc = xc_ref[0]
    xp = xp_ref[0]
    xm1 = jnp.concatenate([xp[-1:], xc[:-1]], axis=0)
    xm2 = jnp.concatenate([xp[-2:], xc[:-2]], axis=0)
    row = lax.broadcasted_iota(jnp.int32, (_BS, 1), 0) + s * _BS
    xm1 = jnp.where(row >= 1, xm1, 0.0)
    xm2 = jnp.where(row >= 2, xm2, 0.0)
    cw = cw_ref[...]
    q = xm2 * cw[0][None, :] + xm1 * cw[1][None, :] + xc * cw[2][None, :]

    mcat = jnp.concatenate(
        [mem_ref[h, 0] for h in range(8)], axis=1).astype(jnp.bfloat16)
    k_raw = jnp.dot(mcat, wkt_ref[...], preferred_element_type=jnp.float32)
    v_raw = jnp.dot(mcat, wvt_ref[...], preferred_element_type=jnp.float32)

    kvar = jnp.mean(k_raw * k_raw, axis=-1, keepdims=True)
    k_mem = knw_ref[...] * (k_raw * lax.rsqrt(kvar + EPS))
    vvar = jnp.mean(v_raw * v_raw, axis=-1, keepdims=True)
    v_mem = vnw_ref[...] * (v_raw * lax.rsqrt(vvar + EPS))

    logit = jnp.sum(q * k_mem, axis=-1, keepdims=True) * float(1.0 / np.sqrt(HID))
    gate = jax.nn.sigmoid(logit + gb_ref[0, 0])
    out_ref[0] = gate * v_mem


def _dense_call(mem4, hidden, wkt, wvt, knw, vnw, cw, gb):
    grid = (B, S // _BS)
    return pl.pallas_call(
        _dense_body,
        grid=grid,
        in_specs=[
            pl.BlockSpec((8, 1, _BS, HD), lambda b, s: (0, b, s, 0)),
            pl.BlockSpec((1, _BS, HID), lambda b, s: (b, s, 0)),
            pl.BlockSpec((1, _BS, HID), lambda b, s: (b, jnp.maximum(s - 1, 0), 0)),
            pl.BlockSpec((HID, HID), lambda b, s: (0, 0)),
            pl.BlockSpec((HID, HID), lambda b, s: (0, 0)),
            pl.BlockSpec((1, HID), lambda b, s: (0, 0)),
            pl.BlockSpec((1, HID), lambda b, s: (0, 0)),
            pl.BlockSpec((K, HID), lambda b, s: (0, 0)),
            pl.BlockSpec((1, 1), lambda b, s: (0, 0), memory_space=pltpu.SMEM),
        ],
        out_specs=pl.BlockSpec((1, _BS, HID), lambda b, s: (b, s, 0)),
        out_shape=jax.ShapeDtypeStruct((B, S, HID), jnp.float32),
        compiler_params=pltpu.CompilerParams(
            dimension_semantics=("parallel", "arbitrary"),
        ),
    )(mem4, hidden, hidden, wkt, wvt, knw, vnw, cw, gb)




def kernel(hidden_states, input_ids, emb_tables, Wk, Wv, key_norm_w,
           value_norm_w, conv_w, gate_bias):
    with jax.enable_x64(False):
        out = _kernel_impl(hidden_states, input_ids, emb_tables, Wk, Wv,
                           key_norm_w, value_norm_w, conv_w, gate_bias)
    return out.astype(jnp.float64)


def _kernel_impl(hidden_states, input_ids, emb_tables, Wk, Wv, key_norm_w,
                 value_norm_w, conv_w, gate_bias):
    ids = input_ids.astype(jnp.int32)
    i0 = ids.reshape(T // 128, 128)
    i1 = jnp.pad(ids, ((0, 0), (1, 0)))[:, :S].reshape(T // 128, 128)
    i2 = jnp.pad(ids, ((0, 0), (2, 0)))[:, :S].reshape(T // 128, 128)

    idx = _hash_ids(i0, i1, i2).reshape(T8 // _CHUNK, _CHUNK)
    table = emb_tables.reshape(8 * V, HD)
    mem = _sc_gather()(idx, table)
    mem4 = mem.reshape(8, B, S, HD)

    wkt = Wk.T.astype(jnp.bfloat16)
    wvt = Wv.T.astype(jnp.bfloat16)
    knw = key_norm_w.reshape(1, HID)
    vnw = value_norm_w.reshape(1, HID)
    cw = conv_w[:, 0, :].T
    gb = gate_bias.reshape(1, 1).astype(jnp.float32)
    return _dense_call(mem4, hidden_states, wkt, wvt, knw, vnw, cw, gb)

# --- scband reference (transcript-rebuilt; emitter-appended) ---
"""Pipeline reference for scband-engram-module-11914239279775 (READ-ONLY COPY).

The authoritative reference and input builder live on the scoring server;
editing this copy changes nothing except your own understanding.
"""

import jax, jax.numpy as jnp
import numpy as np

jax.config.update('jax_enable_x64', True)

B, S, HID = 4, 4096, 1024
TOKEN_VOCAB = 10240
V = 100000
NGRAMS = [2, 3]
NH = 4
TOTAL = len(NGRAMS) * NH
HD = 128
MEMD = TOTAL * HD
K = 3
LAYER_ID = 0
HASH_SEED = 17
MOD = V - 1
EPS = 1e-6


def _build_hash_params(n):
    max_int = (1 << 31) - 1
    mults, offs = [], []
    for h in range(NH):
        base = HASH_SEED + 10007 * (LAYER_ID + 1) + 1543 * (n + 1) + 8191 * (h + 1)
        hm = []
        for pos in range(n):
            v = (base + 32771 * (pos + 1) + 65537 * (h + 1) * (pos + 1)) % max_int
            hm.append(v * 2 + 1)
        off = (base * 48271 + 97 * (n + h + 1)) % max_int
        mults.append(hm)
        offs.append(off)
    return jnp.array(np.array(mults, dtype=np.int64)), jnp.array(np.array(offs, dtype=np.int64))


HASH_PARAMS = {n: _build_hash_params(n) for n in NGRAMS}


def compute_hash_ids(ids):
    B_, S_ = ids.shape
    parts = []
    for n in NGRAMS:
        mult, off = HASH_PARAMS[n]
        L = S_ - n + 1
        windows = jnp.stack([ids[:, i:i + L] for i in range(n)], axis=-1)
        mix = windows[:, :, 0][:, :, None] * mult[:, 0][None, None, :]
        for pos in range(1, n):
            mix = jnp.bitwise_xor(mix, windows[:, :, pos][:, :, None] * mult[:, pos][None, None, :])
        h = jnp.remainder(mix + off[None, None, :], MOD) + 1
        h = jnp.concatenate([jnp.zeros((B_, n - 1, NH), dtype=h.dtype), h], axis=1)
        parts.append(h)
    return jnp.concatenate(parts, axis=-1)


def rmsnorm(x, w):
    var = jnp.mean(x.astype(jnp.float32) ** 2, axis=-1, keepdims=True)
    return w * (x * jax.lax.rsqrt(var + EPS))


def setup_inputs(seed: int = 0):
    key = jax.random.key(seed)
    ks = jax.random.split(key, 8)
    hidden_states = jax.random.normal(ks[0], (B, S, HID), dtype=jnp.float32)
    input_ids = jax.random.randint(ks[1], (B, S), 0, TOKEN_VOCAB, dtype=jnp.int64)
    emb_tables = (jax.random.normal(ks[2], (TOTAL, V, HD), dtype=jnp.float32) * 0.02).at[:, 0, :].set(0.0)
    Wk = jax.random.normal(ks[3], (HID, MEMD), dtype=jnp.float32) * 0.02
    Wv = jax.random.normal(ks[4], (HID, MEMD), dtype=jnp.float32) * 0.02
    key_norm_w = jnp.ones((HID,), dtype=jnp.float32)
    value_norm_w = jnp.ones((HID,), dtype=jnp.float32)
    conv_w = jax.random.normal(ks[5], (HID, 1, K), dtype=jnp.float32) * 0.05
    gate_bias = jnp.array(-4.0, dtype=jnp.float32)
    return {'hidden_states': hidden_states, 'input_ids': input_ids, 'emb_tables': emb_tables, 'Wk': Wk, 'Wv': Wv, 'key_norm_w': key_norm_w, 'value_norm_w': value_norm_w, 'conv_w': conv_w, 'gate_bias': gate_bias}


def reference(hidden_states, input_ids, emb_tables, Wk, Wv, key_norm_w, value_norm_w, conv_w, gate_bias):
    hash_ids = compute_hash_ids(input_ids)
    mem = jnp.concatenate([emb_tables[h][hash_ids[:, :, h]] for h in range(TOTAL)], axis=-1)
    k_mem = rmsnorm(mem @ Wk.T, key_norm_w)
    v_mem = rmsnorm(mem @ Wv.T, value_norm_w)
    xt = jnp.transpose(hidden_states, (0, 2, 1))
    xt = jnp.pad(xt, ((0, 0), (0, 0), (K - 1, 0)))
    q = jax.lax.conv_general_dilated(xt, conv_w, (1,), 'VALID', dimension_numbers=('NCH', 'OIH', 'NCH'), feature_group_count=HID)
    q = jnp.transpose(q, (0, 2, 1))
    gate = jax.nn.sigmoid(jnp.sum(q * k_mem, axis=-1) / np.sqrt(HID) + gate_bias)
    return gate[..., None] * v_mem

if __name__ == "__main__":
    import jax
    _d = setup_inputs()
    print(jax.jit(kernel)(*tuple(_d.values())))

</pallas_src>

<mosaic_0001>
#map = affine_map<(d0, d1) -> (0, 0)>
module attributes {stable_mosaic.version = 14 : i64} {
  func.func @_sc_gather_body(%arg0: i32, %arg1: i32, %arg2: memref<1024x128xi32, #tpu.memory_space<hbm>>, %arg3: memref<800000x128xf32, #tpu.memory_space<hbm>>, %arg4: memref<131072x128xf32, #tpu.memory_space<hbm>>, %arg5: memref<32x128xi32, #tpu.memory_space<vmem>>, %arg6: memref<2x128x128xf32, #tpu.memory_space<vmem>>, %arg7: memref<!tpu.dma_semaphore, #tpu.memory_space<semaphore_mem>>, %arg8: memref<!tpu.dma_semaphore, #tpu.memory_space<semaphore_mem>>) attributes {dimension_semantics = [#tpu.dimension_semantics<core_parallel>, #tpu.dimension_semantics<subcore_parallel>], iteration_bounds = array<i64: 2, 16>, scalar_prefetch = 0 : i64, scratch_operands = 4 : i64, tpu.core_type = #tpu.core_type<sc_vector_subcore>, window_params = [{transform_indices = #map}, {transform_indices = #map}, {transform_indices = #map}]} {
    %mul3A = arith.constant 2 : i32
    %mul3A_0 = arith.muli %arg1, %mul3A : i32
    %add3A = arith.addi %mul3A_0, %arg0 : i32
    %mul3A_1 = arith.constant 32 : i32
    %mul3A_2 = arith.muli %add3A, %mul3A_1 : i32
    "tpu.region"() ({
      %run_scoped3A = tpu.sem_alloc : memref<!tpu.dma_semaphore, #tpu.memory_space<semaphore_mem>>
      %dma_start3A_32 = arith.constant 0 : i32
      %dma_start3A_33 = tpu.memref_slice %arg2[%mul3A_2, %dma_start3A_32] : memref<1024x128xi32, #tpu.memory_space<hbm>> -> memref<32x128xi32, #tpu.memory_space<hbm>>
      %dma_start3A_34 = arith.constant 0 : i32
      %dma_start3A_35 = tpu.memref_slice %arg2[%mul3A_2, %dma_start3A_34] : memref<1024x128xi32, #tpu.memory_space<hbm>> -> memref<32x128xi32, #tpu.memory_space<hbm>>
      tpu.enqueue_dma source(%dma_start3A_35 : memref<32x128xi32, #tpu.memory_space<hbm>>) target(%arg5 : memref<32x128xi32, #tpu.memory_space<vmem>>) target_semaphore(%run_scoped3A : memref<!tpu.dma_semaphore, #tpu.memory_space<semaphore_mem>>)
      %dma_wait3A_36 = arith.constant 0 : i32
      %dma_wait3A_37 = tpu.memref_slice %arg2[%mul3A_2, %dma_wait3A_36] : memref<1024x128xi32, #tpu.memory_space<hbm>> -> memref<32x128xi32, #tpu.memory_space<hbm>>
      %dma_wait3A_38 = arith.constant 0 : i32
      %dma_wait3A_39 = tpu.memref_slice %arg2[%mul3A_2, %dma_wait3A_38] : memref<1024x128xi32, #tpu.memory_space<hbm>> -> memref<32x128xi32, #tpu.memory_space<hbm>>
      tpu.wait_dma2 semaphore(%run_scoped3A : memref<!tpu.dma_semaphore, #tpu.memory_space<semaphore_mem>>) src(%dma_wait3A_39 : memref<32x128xi32, #tpu.memory_space<hbm>>) dst(%arg5 : memref<32x128xi32, #tpu.memory_space<vmem>>)
      tpu.yield
    }) : () -> ()
    %dma_start3A = arith.constant 0 : i32
    %dma_start3A_3 = arith.constant 0 : i32
    %dma_start3A_4 = arith.constant 0 : i32
    %dma_start3A_5 = arith.constant 0 : i32
    %dma_start3A_6 = tpu.memref_slice %arg6[%dma_start3A_3, %dma_start3A_4, %dma_start3A_5] : memref<2x128x128xf32, #tpu.memory_space<vmem>> -> memref<1x128x128xf32, #tpu.memory_space<vmem>>
    %dma_start3A_7 = tpu.memref_squeeze %dma_start3A_6 : memref<1x128x128xf32, #tpu.memory_space<vmem>> -> memref<128x128xf32, #tpu.memory_space<vmem>>
    %dma_start3A_8 = arith.constant 0 : i32
    %dma_start3A_9 = tpu.memref_slice %arg5[%dma_start3A, %dma_start3A_8] : memref<32x128xi32, #tpu.memory_space<vmem>> -> memref<1x128xi32, #tpu.memory_space<vmem>>
    %dma_start3A_10 = tpu.memref_squeeze %dma_start3A_9 : memref<1x128xi32, #tpu.memory_space<vmem>> -> memref<128xi32, #tpu.memory_space<vmem>>
    %dma_start3A_11 = arith.constant 0 : i32
    %dma_start3A_12 = arith.constant 0 : i32
    %dma_start3A_13 = tpu.memref_slice %arg3[%dma_start3A_11, %dma_start3A_12] : memref<800000x128xf32, #tpu.memory_space<hbm>> -> memref<800000x128xf32, #tpu.memory_space<hbm>>
    tpu.enqueue_indirect_dma source(%dma_start3A_13 : memref<800000x128xf32, #tpu.memory_space<hbm>>) target(%dma_start3A_7 : memref<128x128xf32, #tpu.memory_space<vmem>>) offsets(%dma_start3A_10 : memref<128xi32, #tpu.memory_space<vmem>>) semaphore(%arg7 : memref<!tpu.dma_semaphore, #tpu.memory_space<semaphore_mem>>)
    %scan3A = arith.constant 0 : i32
    %scan3A_14 = arith.constant 32 : i32
    %scan3A_15 = arith.addi %scan3A, %scan3A_14 : i32
    %scan3A_16 = arith.constant 1 : i32
    scf.for %scan3A_32 = %scan3A to %scan3A_15 step %scan3A_16  : i32 {
      %and3A = arith.constant 1 : i32
      %and3A_33 = arith.andi %scan3A_32, %and3A : i32
      %xor3A = arith.constant 1 : i32
      %xor3A_34 = arith.xori %and3A_33, %xor3A : i32
      %mul3A_35 = arith.constant 4096 : i32
      %mul3A_36 = arith.muli %add3A, %mul3A_35 : i32
      %mul3A_37 = arith.constant 128 : i32
      %mul3A_38 = arith.muli %scan3A_32, %mul3A_37 : i32
      %add3A_39 = arith.addi %mul3A_36, %mul3A_38 : i32
      %dma_wait3A_40 = arith.constant 0 : i32
      %dma_wait3A_41 = arith.constant 0 : i32
      %dma_wait3A_42 = tpu.memref_slice %arg6[%and3A_33, %dma_wait3A_40, %dma_wait3A_41] : memref<2x128x128xf32, #tpu.memory_space<vmem>> -> memref<1x128x128xf32, #tpu.memory_space<vmem>>
      %dma_wait3A_43 = tpu.memref_squeeze %dma_wait3A_42 : memref<1x128x128xf32, #tpu.memory_space<vmem>> -> memref<128x128xf32, #tpu.memory_space<vmem>>
      %dma_wait3A_44 = arith.constant 0 : i32
      %dma_wait3A_45 = tpu.memref_slice %arg5[%scan3A_32, %dma_wait3A_44] : memref<32x128xi32, #tpu.memory_space<vmem>> -> memref<1x128xi32, #tpu.memory_space<vmem>>
      %dma_wait3A_46 = tpu.memref_squeeze %dma_wait3A_45 : memref<1x128xi32, #tpu.memory_space<vmem>> -> memref<128xi32, #tpu.memory_space<vmem>>
      %dma_wait3A_47 = arith.constant 0 : i32
      %dma_wait3A_48 = arith.constant 0 : i32
      %dma_wait3A_49 = tpu.memref_slice %arg3[%dma_wait3A_47, %dma_wait3A_48] : memref<800000x128xf32, #tpu.memory_space<hbm>> -> memref<800000x128xf32, #tpu.memory_space<hbm>>
      tpu.wait_indirect_dma semaphore(%arg7 : memref<!tpu.dma_semaphore, #tpu.memory_space<semaphore_mem>>) src(%dma_wait3A_49 : memref<800000x128xf32, #tpu.memory_space<hbm>>) dst(%dma_wait3A_43 : memref<128x128xf32, #tpu.memory_space<vmem>>)
      %ge3A = arith.constant 1 : i32
      %ge3A_50 = arith.cmpi sge, %scan3A_32, %ge3A : i32
      %convert_element_type3A = arith.extui %ge3A_50 : i1 to i32
      %cond3A = arith.constant 0 : i32
      %cond3A_51 = arith.cmpi ne, %convert_element_type3A, %cond3A : i32
      scf.if %cond3A_51 {
        %dma_wait3A_68 = arith.constant 0 : i32
        %dma_wait3A_69 = arith.constant 0 : i32
        %dma_wait3A_70 = tpu.memref_slice %arg6[%xor3A_34, %dma_wait3A_68, %dma_wait3A_69] : memref<2x128x128xf32, #tpu.memory_space<vmem>> -> memref<1x128x128xf32, #tpu.memory_space<vmem>>
        %dma_wait3A_71 = tpu.memref_squeeze %dma_wait3A_70 : memref<1x128x128xf32, #tpu.memory_space<vmem>> -> memref<128x128xf32, #tpu.memory_space<vmem>>
        %dma_wait3A_72 = arith.constant 0 : i32
        %dma_wait3A_73 = tpu.memref_slice %arg4[%add3A_39, %dma_wait3A_72] : memref<131072x128xf32, #tpu.memory_space<hbm>> -> memref<128x128xf32, #tpu.memory_space<hbm>>
        %dma_wait3A_74 = arith.constant 0 : i32
        %dma_wait3A_75 = tpu.memref_slice %arg4[%add3A_39, %dma_wait3A_74] : memref<131072x128xf32, #tpu.memory_space<hbm>> -> memref<128x128xf32, #tpu.memory_space<hbm>>
        %dma_wait3A_76 = arith.constant 0 : i32
        %dma_wait3A_77 = arith.constant 0 : i32
        %dma_wait3A_78 = tpu.memref_slice %arg6[%xor3A_34, %dma_wait3A_76, %dma_wait3A_77] : memref<2x128x128xf32, #tpu.memory_space<vmem>> -> memref<1x128x128xf32, #tpu.memory_space<vmem>>
        %dma_wait3A_79 = tpu.memref_squeeze %dma_wait3A_78 : memref<1x128x128xf32, #tpu.memory_space<vmem>> -> memref<128x128xf32, #tpu.memory_space<vmem>>
        tpu.wait_dma2 semaphore(%arg8 : memref<!tpu.dma_semaphore, #tpu.memory_space<semaphore_mem>>) src(%dma_wait3A_79 : memref<128x128xf32, #tpu.memory_space<vmem>>) dst(%dma_wait3A_75 : memref<128x128xf32, #tpu.memory_space<hbm>>)
      } else {
      }
      %lt3A = arith.constant 31 : i32
      %lt3A_52 = arith.cmpi slt, %scan3A_32, %lt3A : i32
      %convert_element_type3A_53 = arith.extui %lt3A_52 : i1 to i32
      %cond3A_54 = arith.constant 0 : i32
      %cond3A_55 = arith.cmpi ne, %convert_element_type3A_53, %cond3A_54 : i32
      scf.if %cond3A_55 {
        %add3A_68 = arith.constant 1 : i32
        %add3A_69 = arith.addi %scan3A_32, %add3A_68 : i32
        %dma_start3A_70 = arith.constant 0 : i32
        %dma_start3A_71 = arith.constant 0 : i32
        %dma_start3A_72 = tpu.memref_slice %arg6[%xor3A_34, %dma_start3A_70, %dma_start3A_71] : memref<2x128x128xf32, #tpu.memory_space<vmem>> -> memref<1x128x128xf32, #tpu.memory_space<vmem>>
        %dma_start3A_73 = tpu.memref_squeeze %dma_start3A_72 : memref<1x128x128xf32, #tpu.memory_space<vmem>> -> memref<128x128xf32, #tpu.memory_space<vmem>>
        %dma_start3A_74 = arith.constant 0 : i32
        %dma_start3A_75 = tpu.memref_slice %arg5[%add3A_69, %dma_start3A_74] : memref<32x128xi32, #tpu.memory_space<vmem>> -> memref<1x128xi32, #tpu.memory_space<vmem>>
        %dma_start3A_76 = tpu.memref_squeeze %dma_start3A_75 : memref<1x128xi32, #tpu.memory_space<vmem>> -> memref<128xi32, #tpu.memory_space<vmem>>
        %dma_start3A_77 = arith.constant 0 : i32
        %dma_start3A_78 = arith.constant 0 : i32
        %dma_start3A_79 = tpu.memref_slice %arg3[%dma_start3A_77, %dma_start3A_78] : memref<800000x128xf32, #tpu.memory_space<hbm>> -> memref<800000x128xf32, #tpu.memory_space<hbm>>
        tpu.enqueue_indirect_dma source(%dma_start3A_79 : memref<800000x128xf32, #tpu.memory_space<hbm>>) target(%dma_start3A_73 : memref<128x128xf32, #tpu.memory_space<vmem>>) offsets(%dma_start3A_76 : memref<128xi32, #tpu.memory_space<vmem>>) semaphore(%arg7 : memref<!tpu.dma_semaphore, #tpu.memory_space<semaphore_mem>>)
      } else {
      }
      %dma_start3A_56 = arith.constant 0 : i32
      %dma_start3A_57 = arith.constant 0 : i32
      %dma_start3A_58 = tpu.memref_slice %arg6[%and3A_33, %dma_start3A_56, %dma_start3A_57] : memref<2x128x128xf32, #tpu.memory_space<vmem>> -> memref<1x128x128xf32, #tpu.memory_space<vmem>>
      %dma_start3A_59 = tpu.memref_squeeze %dma_start3A_58 : memref<1x128x128xf32, #tpu.memory_space<vmem>> -> memref<128x128xf32, #tpu.memory_space<vmem>>
      %dma_start3A_60 = arith.constant 0 : i32
      %dma_start3A_61 = tpu.memref_slice %arg4[%add3A_39, %dma_start3A_60] : memref<131072x128xf32, #tpu.memory_space<hbm>> -> memref<128x128xf32, #tpu.memory_space<hbm>>
      %dma_start3A_62 = arith.constant 0 : i32
      %dma_start3A_63 = tpu.memref_slice %arg4[%add3A_39, %dma_start3A_62] : memref<131072x128xf32, #tpu.memory_space<hbm>> -> memref<128x128xf32, #tpu.memory_space<hbm>>
      %dma_start3A_64 = arith.constant 0 : i32
      %dma_start3A_65 = arith.constant 0 : i32
      %dma_start3A_66 = tpu.memref_slice %arg6[%and3A_33, %dma_start3A_64, %dma_start3A_65] : memref<2x128x128xf32, #tpu.memory_space<vmem>> -> memref<1x128x128xf32, #tpu.memory_space<vmem>>
      %dma_start3A_67 = tpu.memref_squeeze %dma_start3A_66 : memref<1x128x128xf32, #tpu.memory_space<vmem>> -> memref<128x128xf32, #tpu.memory_space<vmem>>
      tpu.enqueue_dma source(%dma_start3A_67 : memref<128x128xf32, #tpu.memory_space<vmem>>) target(%dma_start3A_63 : memref<128x128xf32, #tpu.memory_space<hbm>>) target_semaphore(%arg8 : memref<!tpu.dma_semaphore, #tpu.memory_space<semaphore_mem>>)
    }
    %scan3A_17 = arith.constant 32 : i32
    %dma_wait3A = arith.constant 0 : i32
    %dma_wait3A_18 = arith.constant 0 : i32
    %dma_wait3A_19 = arith.constant 0 : i32
    %dma_wait3A_20 = tpu.memref_slice %arg6[%dma_wait3A, %dma_wait3A_18, %dma_wait3A_19] : memref<2x128x128xf32, #tpu.memory_space<vmem>> -> memref<1x128x128xf32, #tpu.memory_space<vmem>>
    %dma_wait3A_21 = tpu.memref_squeeze %dma_wait3A_20 : memref<1x128x128xf32, #tpu.memory_space<vmem>> -> memref<128x128xf32, #tpu.memory_space<vmem>>
    %dma_wait3A_22 = arith.constant 0 : i32
    %dma_wait3A_23 = arith.constant 0 : i32
    %dma_wait3A_24 = tpu.memref_slice %arg4[%dma_wait3A_22, %dma_wait3A_23] : memref<131072x128xf32, #tpu.memory_space<hbm>> -> memref<128x128xf32, #tpu.memory_space<hbm>>
    %dma_wait3A_25 = arith.constant 0 : i32
    %dma_wait3A_26 = arith.constant 0 : i32
    %dma_wait3A_27 = tpu.memref_slice %arg4[%dma_wait3A_25, %dma_wait3A_26] : memref<131072x128xf32, #tpu.memory_space<hbm>> -> memref<128x128xf32, #tpu.memory_space<hbm>>
    %dma_wait3A_28 = arith.constant 0 : i32
    %dma_wait3A_29 = arith.constant 0 : i32
    %dma_wait3A_30 = tpu.memref_slice %arg6[%dma_wait3A, %dma_wait3A_28, %dma_wait3A_29] : memref<2x128x128xf32, #tpu.memory_space<vmem>> -> memref<1x128x128xf32, #tpu.memory_space<vmem>>
    %dma_wait3A_31 = tpu.memref_squeeze %dma_wait3A_30 : memref<1x128x128xf32, #tpu.memory_space<vmem>> -> memref<128x128xf32, #tpu.memory_space<vmem>>
    tpu.wait_dma2 semaphore(%arg8 : memref<!tpu.dma_semaphore, #tpu.memory_space<semaphore_mem>>) src(%dma_wait3A_31 : memref<128x128xf32, #tpu.memory_space<vmem>>) dst(%dma_wait3A_27 : memref<128x128xf32, #tpu.memory_space<hbm>>)
    return
  }
}

module attributes {stable_mosaic.version = 14 : i64} {
  func.func @_hash_body(%arg0: memref<128x128xi32, #tpu.memory_space<vmem>>, %arg1: memref<128x128xi32, #tpu.memory_space<vmem>>, %arg2: memref<128x128xi32, #tpu.memory_space<vmem>>, %arg3: memref<8x128x128xi32, #tpu.memory_space<vmem>>) attributes {dimension_semantics = [], scalar_prefetch = 0 : i64, scratch_operands = 0 : i64, tpu.core_type = #tpu.core_type<tc>} {
    %get3A = arith.constant 0 : index
    %get3A_0 = arith.constant 0 : index
    %get3A_1 = vector.load %arg0[%get3A, %get3A_0] : memref<128x128xi32, #tpu.memory_space<vmem>>, vector<128x128xi32>
    %get3A_2 = arith.constant 0 : index
    %get3A_3 = arith.constant 0 : index
    %get3A_4 = vector.load %arg1[%get3A_2, %get3A_3] : memref<128x128xi32, #tpu.memory_space<vmem>>, vector<128x128xi32>
    %get3A_5 = arith.constant 0 : index
    %get3A_6 = arith.constant 0 : index
    %get3A_7 = vector.load %arg2[%get3A_5, %get3A_6] : memref<128x128xi32, #tpu.memory_space<vmem>>, vector<128x128xi32>
    %iota3A = tpu.iota {dimensions = array<i32: 0>} : vector<128x128xi32>
    %iota3A_8 = tpu.iota {dimensions = array<i32: 1>} : vector<128x128xi32>
    %jit3A = arith.constant 32 : i32
    %eq3A = arith.constant 0 : i32
    %eq3A_9 = arith.cmpi eq, %jit3A, %eq3A : i32
    %jit3A_10 = arith.constant 1 : i32
    %select_n3A = arith.select %eq3A_9, %jit3A_10, %jit3A : i32
    %rem3A = vector.broadcast %select_n3A : i32 to vector<128x128xi32>
    %rem3A_11 = arith.remsi %iota3A, %rem3A : vector<128x128xi32>
    %ne3A = arith.constant 0 : i32
    %ne3A_12 = vector.broadcast %ne3A : i32 to vector<128x128xi32>
    %ne3A_13 = arith.cmpi ne, %rem3A_11, %ne3A_12 : vector<128x128xi32>
    %lt3A = arith.constant 0 : i32
    %lt3A_14 = vector.broadcast %lt3A : i32 to vector<128x128xi32>
    %lt3A_15 = arith.cmpi slt, %rem3A_11, %lt3A_14 : vector<128x128xi32>
    %lt3A_16 = arith.constant 0 : i32
    %lt3A_17 = arith.cmpi slt, %select_n3A, %lt3A_16 : i32
    %ne3A_18 = vector.broadcast %lt3A_17 : i1 to vector<128x128xi1>
    %ne3A_19 = vector.broadcast %ne3A_18 : vector<128x128xi1> to vector<128x128xi1>
    %ne3A_20 = arith.xori %lt3A_15, %ne3A_19 : vector<128x128xi1>
    %and3A = arith.andi %ne3A_20, %ne3A_13 : vector<128x128xi1>
    %add3A = vector.broadcast %select_n3A : i32 to vector<128x128xi32>
    %add3A_21 = arith.addi %rem3A_11, %add3A : vector<128x128xi32>
    %select_n3A_22 = arith.select %and3A, %add3A_21, %rem3A_11 : vector<128x128xi1>, vector<128x128xi32>
    %mul3A = arith.constant 128 : i32
    %mul3A_23 = vector.broadcast %mul3A : i32 to vector<128x128xi32>
    %mul3A_24 = arith.muli %select_n3A_22, %mul3A_23 : vector<128x128xi32>
    %add3A_25 = arith.addi %mul3A_24, %iota3A_8 : vector<128x128xi32>
    %mul3A_26 = arith.constant 45697 : i32
    %mul3A_27 = vector.broadcast %mul3A_26 : i32 to vector<128x128xi32>
    %mul3A_28 = arith.muli %get3A_4, %mul3A_27 : vector<128x128xi32>
    %mul3A_29 = arith.constant 3 : i32
    %mul3A_30 = vector.broadcast %mul3A_29 : i32 to vector<128x128xi32>
    %mul3A_31 = arith.muli %get3A_4, %mul3A_30 : vector<128x128xi32>
    %and3A_32 = arith.constant 65535 : i32
    %and3A_33 = vector.broadcast %and3A_32 : i32 to vector<128x128xi32>
    %and3A_34 = arith.andi %mul3A_31, %and3A_33 : vector<128x128xi32>
    %shift_left3A = arith.constant 16 : i32
    %shift_left3A_35 = vector.broadcast %shift_left3A : i32 to vector<128x128xi32>
    %shift_left3A_36 = arith.shli %and3A_34, %shift_left3A_35 : vector<128x128xi32>
    %add3A_37 = arith.addi %shift_left3A_36, %mul3A_28 : vector<128x128xi32>
    %and3A_38 = arith.andi %shift_left3A_36, %mul3A_28 : vector<128x128xi32>
    %or3A = arith.ori %shift_left3A_36, %mul3A_28 : vector<128x128xi32>
    %not3A = arith.constant dense<-1> : vector<128x128xi32>
    %not3A_39 = arith.xori %add3A_37, %not3A : vector<128x128xi32>
    %and3A_40 = arith.andi %or3A, %not3A_39 : vector<128x128xi32>
    %or3A_41 = arith.ori %and3A_38, %and3A_40 : vector<128x128xi32>
    %shift_right_logical3A = arith.constant 31 : i32
    %shift_right_logical3A_42 = vector.broadcast %shift_right_logical3A : i32 to vector<128x128xi32>
    %shift_right_logical3A_43 = arith.shrui %or3A_41, %shift_right_logical3A_42 : vector<128x128xi32>
    %shift_right_logical3A_44 = arith.constant 16 : i32
    %shift_right_logical3A_45 = vector.broadcast %shift_right_logical3A_44 : i32 to vector<128x128xi32>
    %shift_right_logical3A_46 = arith.shrui %mul3A_31, %shift_right_logical3A_45 : vector<128x128xi32>
    %add3A_47 = arith.addi %shift_right_logical3A_46, %shift_right_logical3A_43 : vector<128x128xi32>
    %mul3A_48 = arith.constant 45705 : i32
    %mul3A_49 = vector.broadcast %mul3A_48 : i32 to vector<128x128xi32>
    %mul3A_50 = arith.muli %get3A_1, %mul3A_49 : vector<128x128xi32>
    %mul3A_51 = arith.constant 6 : i32
    %mul3A_52 = vector.broadcast %mul3A_51 : i32 to vector<128x128xi32>
    %mul3A_53 = arith.muli %get3A_1, %mul3A_52 : vector<128x128xi32>
    %and3A_54 = arith.constant 65535 : i32
    %and3A_55 = vector.broadcast %and3A_54 : i32 to vector<128x128xi32>
    %and3A_56 = arith.andi %mul3A_53, %and3A_55 : vector<128x128xi32>
    %shift_left3A_57 = arith.constant 16 : i32
    %shift_left3A_58 = vector.broadcast %shift_left3A_57 : i32 to vector<128x128xi32>
    %shift_left3A_59 = arith.shli %and3A_56, %shift_left3A_58 : vector<128x128xi32>
    %add3A_60 = arith.addi %shift_left3A_59, %mul3A_50 : vector<128x128xi32>
    %and3A_61 = arith.andi %shift_left3A_59, %mul3A_50 : vector<128x128xi32>
    %or3A_62 = arith.ori %shift_left3A_59, %mul3A_50 : vector<128x128xi32>
    %not3A_63 = arith.constant dense<-1> : vector<128x128xi32>
    %not3A_64 = arith.xori %add3A_60, %not3A_63 : vector<128x128xi32>
    %and3A_65 = arith.andi %or3A_62, %not3A_64 : vector<128x128xi32>
    %or3A_66 = arith.ori %and3A_61, %and3A_65 : vector<128x128xi32>
    %shift_right_logical3A_67 = arith.constant 31 : i32
    %shift_right_logical3A_68 = vector.broadcast %shift_right_logical3A_67 : i32 to vector<128x128xi32>
    %shift_right_logical3A_69 = arith.shrui %or3A_66, %shift_right_logical3A_68 : vector<128x128xi32>
    %shift_right_logical3A_70 = arith.constant 16 : i32
    %shift_right_logical3A_71 = vector.broadcast %shift_right_logical3A_70 : i32 to vector<128x128xi32>
    %shift_right_logical3A_72 = arith.shrui %mul3A_53, %shift_right_logical3A_71 : vector<128x128xi32>
    %add3A_73 = arith.addi %shift_right_logical3A_72, %shift_right_logical3A_69 : vector<128x128xi32>
    %xor3A = arith.xori %add3A_47, %add3A_73 : vector<128x128xi32>
    %xor3A_74 = arith.xori %add3A_37, %add3A_60 : vector<128x128xi32>
    %add3A_75 = arith.constant 1102703015 : i32
    %add3A_76 = vector.broadcast %add3A_75 : i32 to vector<128x128xi32>
    %add3A_77 = arith.addi %xor3A_74, %add3A_76 : vector<128x128xi32>
    %and3A_78 = arith.constant 1102703015 : i32
    %and3A_79 = vector.broadcast %and3A_78 : i32 to vector<128x128xi32>
    %and3A_80 = arith.andi %xor3A_74, %and3A_79 : vector<128x128xi32>
    %or3A_81 = arith.constant 1102703015 : i32
    %or3A_82 = vector.broadcast %or3A_81 : i32 to vector<128x128xi32>
    %or3A_83 = arith.ori %xor3A_74, %or3A_82 : vector<128x128xi32>
    %not3A_84 = arith.constant dense<-1> : vector<128x128xi32>
    %not3A_85 = arith.xori %add3A_77, %not3A_84 : vector<128x128xi32>
    %and3A_86 = arith.andi %or3A_83, %not3A_85 : vector<128x128xi32>
    %or3A_87 = arith.ori %and3A_80, %and3A_86 : vector<128x128xi32>
    %shift_right_logical3A_88 = arith.constant 31 : i32
    %shift_right_logical3A_89 = vector.broadcast %shift_right_logical3A_88 : i32 to vector<128x128xi32>
    %shift_right_logical3A_90 = arith.shrui %or3A_87, %shift_right_logical3A_89 : vector<128x128xi32>
    %add3A_91 = arith.addi %xor3A, %shift_right_logical3A_90 : vector<128x128xi32>
    %shift_right_logical3A_92 = arith.constant 31 : i32
    %shift_right_logical3A_93 = vector.broadcast %shift_right_logical3A_92 : i32 to vector<128x128xi32>
    %shift_right_logical3A_94 = arith.shrui %add3A_77, %shift_right_logical3A_93 : vector<128x128xi32>
    %and3A_95 = arith.constant 2147483647 : i32
    %and3A_96 = vector.broadcast %and3A_95 : i32 to vector<128x128xi32>
    %and3A_97 = arith.andi %add3A_77, %and3A_96 : vector<128x128xi32>
    %jit3A_98 = arith.constant 99999 : i32
    %eq3A_99 = arith.constant 0 : i32
    %eq3A_100 = arith.cmpi eq, %jit3A_98, %eq3A_99 : i32
    %jit3A_101 = arith.constant 1 : i32
    %select_n3A_102 = arith.select %eq3A_100, %jit3A_101, %jit3A_98 : i32
    %rem3A_103 = vector.broadcast %select_n3A_102 : i32 to vector<128x128xi32>
    %rem3A_104 = arith.remsi %and3A_97, %rem3A_103 : vector<128x128xi32>
    %ne3A_105 = arith.constant 0 : i32
    %ne3A_106 = vector.broadcast %ne3A_105 : i32 to vector<128x128xi32>
    %ne3A_107 = arith.cmpi ne, %rem3A_104, %ne3A_106 : vector<128x128xi32>
    %lt3A_108 = arith.constant 0 : i32
    %lt3A_109 = vector.broadcast %lt3A_108 : i32 to vector<128x128xi32>
    %lt3A_110 = arith.cmpi slt, %rem3A_104, %lt3A_109 : vector<128x128xi32>
    %lt3A_111 = arith.constant 0 : i32
    %lt3A_112 = arith.cmpi slt, %select_n3A_102, %lt3A_111 : i32
    %ne3A_113 = vector.broadcast %lt3A_112 : i1 to vector<128x128xi1>
    %ne3A_114 = vector.broadcast %ne3A_113 : vector<128x128xi1> to vector<128x128xi1>
    %ne3A_115 = arith.xori %lt3A_110, %ne3A_114 : vector<128x128xi1>
    %and3A_116 = arith.andi %ne3A_115, %ne3A_107 : vector<128x128xi1>
    %add3A_117 = vector.broadcast %select_n3A_102 : i32 to vector<128x128xi32>
    %add3A_118 = arith.addi %rem3A_104, %add3A_117 : vector<128x128xi32>
    %select_n3A_119 = arith.select %and3A_116, %add3A_118, %rem3A_104 : vector<128x128xi1>, vector<128x128xi32>
    %mul3A_120 = arith.constant 5123 : i32
    %mul3A_121 = vector.broadcast %mul3A_120 : i32 to vector<128x128xi32>
    %mul3A_122 = arith.muli %shift_right_logical3A_94, %mul3A_121 : vector<128x128xi32>
    %add3A_123 = arith.addi %select_n3A_119, %mul3A_122 : vector<128x128xi32>
    %mul3A_124 = arith.constant 10246 : i32
    %mul3A_125 = vector.broadcast %mul3A_124 : i32 to vector<128x128xi32>
    %mul3A_126 = arith.muli %add3A_91, %mul3A_125 : vector<128x128xi32>
    %add3A_127 = arith.addi %mul3A_126, %add3A_123 : vector<128x128xi32>
    %jit3A_128 = arith.constant 99999 : i32
    %eq3A_129 = arith.constant 0 : i32
    %eq3A_130 = arith.cmpi eq, %jit3A_128, %eq3A_129 : i32
    %jit3A_131 = arith.constant 1 : i32
    %select_n3A_132 = arith.select %eq3A_130, %jit3A_131, %jit3A_128 : i32
    %rem3A_133 = vector.broadcast %select_n3A_132 : i32 to vector<128x128xi32>
    %rem3A_134 = arith.remsi %add3A_127, %rem3A_133 : vector<128x128xi32>
    %ne3A_135 = arith.constant 0 : i32
    %ne3A_136 = vector.broadcast %ne3A_135 : i32 to vector<128x128xi32>
    %ne3A_137 = arith.cmpi ne, %rem3A_134, %ne3A_136 : vector<128x128xi32>
    %lt3A_138 = arith.constant 0 : i32
    %lt3A_139 = vector.broadcast %lt3A_138 : i32 to vector<128x128xi32>
    %lt3A_140 = arith.cmpi slt, %rem3A_134, %lt3A_139 : vector<128x128xi32>
    %lt3A_141 = arith.constant 0 : i32
    %lt3A_142 = arith.cmpi slt, %select_n3A_132, %lt3A_141 : i32
    %ne3A_143 = vector.broadcast %lt3A_142 : i1 to vector<128x128xi1>
    %ne3A_144 = vector.broadcast %ne3A_143 : vector<128x128xi1> to vector<128x128xi1>
    %ne3A_145 = arith.xori %lt3A_140, %ne3A_144 : vector<128x128xi1>
    %and3A_146 = arith.andi %ne3A_145, %ne3A_137 : vector<128x128xi1>
    %add3A_147 = vector.broadcast %select_n3A_132 : i32 to vector<128x128xi32>
    %add3A_148 = arith.addi %rem3A_134, %add3A_147 : vector<128x128xi32>
    %select_n3A_149 = arith.select %and3A_146, %add3A_148, %rem3A_134 : vector<128x128xi1>, vector<128x128xi32>
    %add3A_150 = arith.constant 1 : i32
    %add3A_151 = vector.broadcast %add3A_150 : i32 to vector<128x128xi32>
    %add3A_152 = arith.addi %select_n3A_149, %add3A_151 : vector<128x128xi32>
    %ge3A = arith.constant 1 : i32
    %ge3A_153 = vector.broadcast %ge3A : i32 to vector<128x128xi32>
    %ge3A_154 = arith.cmpi sge, %add3A_25, %ge3A_153 : vector<128x128xi32>
    %jit3A_155 = arith.constant 0 : i32
    %broadcast_in_dim3A = vector.broadcast %jit3A_155 : i32 to vector<128x128xi32>
    %select_n3A_156 = arith.select %ge3A_154, %add3A_152, %broadcast_in_dim3A : vector<128x128xi1>, vector<128x128xi32>
    %add3A_157 = arith.constant 0 : i32
    %add3A_158 = vector.broadcast %add3A_157 : i32 to vector<128x128xi32>
    %add3A_159 = arith.addi %select_n3A_156, %add3A_158 : vector<128x128xi32>
    %swap3A = arith.constant 0 : index
    %swap3A_160 = arith.constant 0 : index
    %swap3A_161 = arith.constant 0 : index
    %swap3A_162 = vector.load %arg3[%swap3A, %swap3A_160, %swap3A_161] : memref<8x128x128xi32, #tpu.memory_space<vmem>>, vector<1x128x128xi32>
    %swap3A_163 = vector.shape_cast %swap3A_162 : vector<1x128x128xi32> to vector<128x128xi32>
    %swap3A_164 = vector.shape_cast %add3A_159 : vector<128x128xi32> to vector<1x128x128xi32>
    tpu.vector_store %arg3[%swap3A, %swap3A_160, %swap3A_161], %swap3A_164 {strides = array<i32>} : memref<8x128x128xi32, #tpu.memory_space<vmem>>, vector<1x128x128xi32>,
    %mul3A_165 = arith.constant 62081 : i32
    %mul3A_166 = vector.broadcast %mul3A_165 : i32 to vector<128x128xi32>
    %mul3A_167 = arith.muli %get3A_4, %mul3A_166 : vector<128x128xi32>
    %mul3A_168 = arith.constant 5 : i32
    %mul3A_169 = vector.broadcast %mul3A_168 : i32 to vector<128x128xi32>
    %mul3A_170 = arith.muli %get3A_4, %mul3A_169 : vector<128x128xi32>
    %and3A_171 = arith.constant 65535 : i32
    %and3A_172 = vector.broadcast %and3A_171 : i32 to vector<128x128xi32>
    %and3A_173 = arith.andi %mul3A_170, %and3A_172 : vector<128x128xi32>
    %shift_left3A_174 = arith.constant 16 : i32
    %shift_left3A_175 = vector.broadcast %shift_left3A_174 : i32 to vector<128x128xi32>
    %shift_left3A_176 = arith.shli %and3A_173, %shift_left3A_175 : vector<128x128xi32>
    %add3A_177 = arith.addi %shift_left3A_176, %mul3A_167 : vector<128x128xi32>
    %and3A_178 = arith.andi %shift_left3A_176, %mul3A_167 : vector<128x128xi32>
    %or3A_179 = arith.ori %shift_left3A_176, %mul3A_167 : vector<128x128xi32>
    %not3A_180 = arith.constant dense<-1> : vector<128x128xi32>
    %not3A_181 = arith.xori %add3A_177, %not3A_180 : vector<128x128xi32>
    %and3A_182 = arith.andi %or3A_179, %not3A_181 : vector<128x128xi32>
    %or3A_183 = arith.ori %and3A_178, %and3A_182 : vector<128x128xi32>
    %shift_right_logical3A_184 = arith.constant 31 : i32
    %shift_right_logical3A_185 = vector.broadcast %shift_right_logical3A_184 : i32 to vector<128x128xi32>
    %shift_right_logical3A_186 = arith.shrui %or3A_183, %shift_right_logical3A_185 : vector<128x128xi32>
    %shift_right_logical3A_187 = arith.constant 16 : i32
    %shift_right_logical3A_188 = vector.broadcast %shift_right_logical3A_187 : i32 to vector<128x128xi32>
    %shift_right_logical3A_189 = arith.shrui %mul3A_170, %shift_right_logical3A_188 : vector<128x128xi32>
    %add3A_190 = arith.addi %shift_right_logical3A_189, %shift_right_logical3A_186 : vector<128x128xi32>
    %mul3A_191 = arith.constant 62091 : i32
    %mul3A_192 = vector.broadcast %mul3A_191 : i32 to vector<128x128xi32>
    %mul3A_193 = arith.muli %get3A_1, %mul3A_192 : vector<128x128xi32>
    %mul3A_194 = arith.constant 10 : i32
    %mul3A_195 = vector.broadcast %mul3A_194 : i32 to vector<128x128xi32>
    %mul3A_196 = arith.muli %get3A_1, %mul3A_195 : vector<128x128xi32>
    %and3A_197 = arith.constant 65535 : i32
    %and3A_198 = vector.broadcast %and3A_197 : i32 to vector<128x128xi32>
    %and3A_199 = arith.andi %mul3A_196, %and3A_198 : vector<128x128xi32>
    %shift_left3A_200 = arith.constant 16 : i32
    %shift_left3A_201 = vector.broadcast %shift_left3A_200 : i32 to vector<128x128xi32>
    %shift_left3A_202 = arith.shli %and3A_199, %shift_left3A_201 : vector<128x128xi32>
    %add3A_203 = arith.addi %shift_left3A_202, %mul3A_193 : vector<128x128xi32>
    %and3A_204 = arith.andi %shift_left3A_202, %mul3A_193 : vector<128x128xi32>
    %or3A_205 = arith.ori %shift_left3A_202, %mul3A_193 : vector<128x128xi32>
    %not3A_206 = arith.constant dense<-1> : vector<128x128xi32>
    %not3A_207 = arith.xori %add3A_203, %not3A_206 : vector<128x128xi32>
    %and3A_208 = arith.andi %or3A_205, %not3A_207 : vector<128x128xi32>
    %or3A_209 = arith.ori %and3A_204, %and3A_208 : vector<128x128xi32>
    %shift_right_logical3A_210 = arith.constant 31 : i32
    %shift_right_logical3A_211 = vector.broadcast %shift_right_logical3A_210 : i32 to vector<128x128xi32>
    %shift_right_logical3A_212 = arith.shrui %or3A_209, %shift_right_logical3A_211 : vector<128x128xi32>
    %shift_right_logical3A_213 = arith.constant 16 : i32
    %shift_right_logical3A_214 = vector.broadcast %shift_right_logical3A_213 : i32 to vector<128x128xi32>
    %shift_right_logical3A_215 = arith.shrui %mul3A_196, %shift_right_logical3A_214 : vector<128x128xi32>
    %add3A_216 = arith.addi %shift_right_logical3A_215, %shift_right_logical3A_212 : vector<128x128xi32>
    %xor3A_217 = arith.xori %add3A_190, %add3A_216 : vector<128x128xi32>
    %xor3A_218 = arith.xori %add3A_177, %add3A_203 : vector<128x128xi32>
    %add3A_219 = arith.constant 1498090873 : i32
    %add3A_220 = vector.broadcast %add3A_219 : i32 to vector<128x128xi32>
    %add3A_221 = arith.addi %xor3A_218, %add3A_220 : vector<128x128xi32>
    %and3A_222 = arith.constant 1498090873 : i32
    %and3A_223 = vector.broadcast %and3A_222 : i32 to vector<128x128xi32>
    %and3A_224 = arith.andi %xor3A_218, %and3A_223 : vector<128x128xi32>
    %or3A_225 = arith.constant 1498090873 : i32
    %or3A_226 = vector.broadcast %or3A_225 : i32 to vector<128x128xi32>
    %or3A_227 = arith.ori %xor3A_218, %or3A_226 : vector<128x128xi32>
    %not3A_228 = arith.constant dense<-1> : vector<128x128xi32>
    %not3A_229 = arith.xori %add3A_221, %not3A_228 : vector<128x128xi32>
    %and3A_230 = arith.andi %or3A_227, %not3A_229 : vector<128x128xi32>
    %or3A_231 = arith.ori %and3A_224, %and3A_230 : vector<128x128xi32>
    %shift_right_logical3A_232 = arith.constant 31 : i32
    %shift_right_logical3A_233 = vector.broadcast %shift_right_logical3A_232 : i32 to vector<128x128xi32>
    %shift_right_logical3A_234 = arith.shrui %or3A_231, %shift_right_logical3A_233 : vector<128x128xi32>
    %add3A_235 = arith.addi %xor3A_217, %shift_right_logical3A_234 : vector<128x128xi32>
    %shift_right_logical3A_236 = arith.constant 31 : i32
    %shift_right_logical3A_237 = vector.broadcast %shift_right_logical3A_236 : i32 to vector<128x128xi32>
    %shift_right_logical3A_238 = arith.shrui %add3A_221, %shift_right_logical3A_237 : vector<128x128xi32>
    %and3A_239 = arith.constant 2147483647 : i32
    %and3A_240 = vector.broadcast %and3A_239 : i32 to vector<128x128xi32>
    %and3A_241 = arith.andi %add3A_221, %and3A_240 : vector<128x128xi32>
    %jit3A_242 = arith.constant 99999 : i32
    %eq3A_243 = arith.constant 0 : i32
    %eq3A_244 = arith.cmpi eq, %jit3A_242, %eq3A_243 : i32
    %jit3A_245 = arith.constant 1 : i32
    %select_n3A_246 = arith.select %eq3A_244, %jit3A_245, %jit3A_242 : i32
    %rem3A_247 = vector.broadcast %select_n3A_246 : i32 to vector<128x128xi32>
    %rem3A_248 = arith.remsi %and3A_241, %rem3A_247 : vector<128x128xi32>
    %ne3A_249 = arith.constant 0 : i32
    %ne3A_250 = vector.broadcast %ne3A_249 : i32 to vector<128x128xi32>
    %ne3A_251 = arith.cmpi ne, %rem3A_248, %ne3A_250 : vector<128x128xi32>
    %lt3A_252 = arith.constant 0 : i32
    %lt3A_253 = vector.broadcast %lt3A_252 : i32 to vector<128x128xi32>
    %lt3A_254 = arith.cmpi slt, %rem3A_248, %lt3A_253 : vector<128x128xi32>
    %lt3A_255 = arith.constant 0 : i32
    %lt3A_256 = arith.cmpi slt, %select_n3A_246, %lt3A_255 : i32
    %ne3A_257 = vector.broadcast %lt3A_256 : i1 to vector<128x128xi1>
    %ne3A_258 = vector.broadcast %ne3A_257 : vector<128x128xi1> to vector<128x128xi1>
    %ne3A_259 = arith.xori %lt3A_254, %ne3A_258 : vector<128x128xi1>
    %and3A_260 = arith.andi %ne3A_259, %ne3A_251 : vector<128x128xi1>
    %add3A_261 = vector.broadcast %select_n3A_246 : i32 to vector<128x128xi32>
    %add3A_262 = arith.addi %rem3A_248, %add3A_261 : vector<128x128xi32>
    %select_n3A_263 = arith.select %and3A_260, %add3A_262, %rem3A_248 : vector<128x128xi1>, vector<128x128xi32>
    %mul3A_264 = arith.constant 5123 : i32
    %mul3A_265 = vector.broadcast %mul3A_264 : i32 to vector<128x128xi32>
    %mul3A_266 = arith.muli %shift_right_logical3A_238, %mul3A_265 : vector<128x128xi32>
    %add3A_267 = arith.addi %select_n3A_263, %mul3A_266 : vector<128x128xi32>
    %mul3A_268 = arith.constant 10246 : i32
    %mul3A_269 = vector.broadcast %mul3A_268 : i32 to vector<128x128xi32>
    %mul3A_270 = arith.muli %add3A_235, %mul3A_269 : vector<128x128xi32>
    %add3A_271 = arith.addi %mul3A_270, %add3A_267 : vector<128x128xi32>
    %jit3A_272 = arith.constant 99999 : i32
    %eq3A_273 = arith.constant 0 : i32
    %eq3A_274 = arith.cmpi eq, %jit3A_272, %eq3A_273 : i32
    %jit3A_275 = arith.constant 1 : i32
    %select_n3A_276 = arith.select %eq3A_274, %jit3A_275, %jit3A_272 : i32
    %rem3A_277 = vector.broadcast %select_n3A_276 : i32 to vector<128x128xi32>
    %rem3A_278 = arith.remsi %add3A_271, %rem3A_277 : vector<128x128xi32>
    %ne3A_279 = arith.constant 0 : i32
    %ne3A_280 = vector.broadcast %ne3A_279 : i32 to vector<128x128xi32>
    %ne3A_281 = arith.cmpi ne, %rem3A_278, %ne3A_280 : vector<128x128xi32>
    %lt3A_282 = arith.constant 0 : i32
    %lt3A_283 = vector.broadcast %lt3A_282 : i32 to vector<128x128xi32>
    %lt3A_284 = arith.cmpi slt, %rem3A_278, %lt3A_283 : vector<128x128xi32>
    %lt3A_285 = arith.constant 0 : i32
    %lt3A_286 = arith.cmpi slt, %select_n3A_276, %lt3A_285 : i32
    %ne3A_287 = vector.broadcast %lt3A_286 : i1 to vector<128x128xi1>
    %ne3A_288 = vector.broadcast %ne3A_287 : vector<128x128xi1> to vector<128x128xi1>
    %ne3A_289 = arith.xori %lt3A_284, %ne3A_288 : vector<128x128xi1>
    %and3A_290 = arith.andi %ne3A_289, %ne3A_281 : vector<128x128xi1>
    %add3A_291 = vector.broadcast %select_n3A_276 : i32 to vector<128x128xi32>
    %add3A_292 = arith.addi %rem3A_278, %add3A_291 : vector<128x128xi32>
    %select_n3A_293 = arith.select %and3A_290, %add3A_292, %rem3A_278 : vector<128x128xi1>, vector<128x128xi32>
    %add3A_294 = arith.constant 1 : i32
    %add3A_295 = vector.broadcast %add3A_294 : i32 to vector<128x128xi32>
    %add3A_296 = arith.addi %select_n3A_293, %add3A_295 : vector<128x128xi32>
    %ge3A_297 = arith.constant 1 : i32
    %ge3A_298 = vector.broadcast %ge3A_297 : i32 to vector<128x128xi32>
    %ge3A_299 = arith.cmpi sge, %add3A_25, %ge3A_298 : vector<128x128xi32>
    %jit3A_300 = arith.constant 0 : i32
    %broadcast_in_dim3A_301 = vector.broadcast %jit3A_300 : i32 to vector<128x128xi32>
    %select_n3A_302 = arith.select %ge3A_299, %add3A_296, %broadcast_in_dim3A_301 : vector<128x128xi1>, vector<128x128xi32>
    %add3A_303 = arith.constant 100000 : i32
    %add3A_304 = vector.broadcast %add3A_303 : i32 to vector<128x128xi32>
    %add3A_305 = arith.addi %select_n3A_302, %add3A_304 : vector<128x128xi32>
    %swap3A_306 = arith.constant 1 : index
    %swap3A_307 = arith.constant 0 : index
    %swap3A_308 = arith.constant 0 : index
    %swap3A_309 = vector.load %arg3[%swap3A_306, %swap3A_307, %swap3A_308] : memref<8x128x128xi32, #tpu.memory_space<vmem>>, vector<1x128x128xi32>
    %swap3A_310 = vector.shape_cast %swap3A_309 : vector<1x128x128xi32> to vector<128x128xi32>
    %swap3A_311 = vector.shape_cast %add3A_305 : vector<128x128xi32> to vector<1x128x128xi32>
    tpu.vector_store %arg3[%swap3A_306, %swap3A_307, %swap3A_308], %swap3A_311 {strides = array<i32>} : memref<8x128x128xi32, #tpu.memory_space<vmem>>, vector<1x128x128xi32>,
    %mul3A_312 = arith.constant 12929 : i32
    %mul3A_313 = vector.broadcast %mul3A_312 : i32 to vector<128x128xi32>
    %mul3A_314 = arith.muli %get3A_4, %mul3A_313 : vector<128x128xi32>
    %mul3A_315 = arith.constant 8 : i32
    %mul3A_316 = vector.broadcast %mul3A_315 : i32 to vector<128x128xi32>
    %mul3A_317 = arith.muli %get3A_4, %mul3A_316 : vector<128x128xi32>
    %and3A_318 = arith.constant 65535 : i32
    %and3A_319 = vector.broadcast %and3A_318 : i32 to vector<128x128xi32>
    %and3A_320 = arith.andi %mul3A_317, %and3A_319 : vector<128x128xi32>
    %shift_left3A_321 = arith.constant 16 : i32
    %shift_left3A_322 = vector.broadcast %shift_left3A_321 : i32 to vector<128x128xi32>
    %shift_left3A_323 = arith.shli %and3A_320, %shift_left3A_322 : vector<128x128xi32>
    %add3A_324 = arith.addi %shift_left3A_323, %mul3A_314 : vector<128x128xi32>
    %and3A_325 = arith.andi %shift_left3A_323, %mul3A_314 : vector<128x128xi32>
    %or3A_326 = arith.ori %shift_left3A_323, %mul3A_314 : vector<128x128xi32>
    %not3A_327 = arith.constant dense<-1> : vector<128x128xi32>
    %not3A_328 = arith.xori %add3A_324, %not3A_327 : vector<128x128xi32>
    %and3A_329 = arith.andi %or3A_326, %not3A_328 : vector<128x128xi32>
    %or3A_330 = arith.ori %and3A_325, %and3A_329 : vector<128x128xi32>
    %shift_right_logical3A_331 = arith.constant 31 : i32
    %shift_right_logical3A_332 = vector.broadcast %shift_right_logical3A_331 : i32 to vector<128x128xi32>
    %shift_right_logical3A_333 = arith.shrui %or3A_330, %shift_right_logical3A_332 : vector<128x128xi32>
    %shift_right_logical3A_334 = arith.constant 16 : i32
    %shift_right_logical3A_335 = vector.broadcast %shift_right_logical3A_334 : i32 to vector<128x128xi32>
    %shift_right_logical3A_336 = arith.shrui %mul3A_317, %shift_right_logical3A_335 : vector<128x128xi32>
    %add3A_337 = arith.addi %shift_right_logical3A_336, %shift_right_logical3A_333 : vector<128x128xi32>
    %mul3A_338 = arith.constant 12941 : i32
    %mul3A_339 = vector.broadcast %mul3A_338 : i32 to vector<128x128xi32>
    %mul3A_340 = arith.muli %get3A_1, %mul3A_339 : vector<128x128xi32>
    %mul3A_341 = arith.constant 15 : i32
    %mul3A_342 = vector.broadcast %mul3A_341 : i32 to vector<128x128xi32>
    %mul3A_343 = arith.muli %get3A_1, %mul3A_342 : vector<128x128xi32>
    %and3A_344 = arith.constant 65535 : i32
    %and3A_345 = vector.broadcast %and3A_344 : i32 to vector<128x128xi32>
    %and3A_346 = arith.andi %mul3A_343, %and3A_345 : vector<128x128xi32>
    %shift_left3A_347 = arith.constant 16 : i32
    %shift_left3A_348 = vector.broadcast %shift_left3A_347 : i32 to vector<128x128xi32>
    %shift_left3A_349 = arith.shli %and3A_346, %shift_left3A_348 : vector<128x128xi32>
    %add3A_350 = arith.addi %shift_left3A_349, %mul3A_340 : vector<128x128xi32>
    %and3A_351 = arith.andi %shift_left3A_349, %mul3A_340 : vector<128x128xi32>
    %or3A_352 = arith.ori %shift_left3A_349, %mul3A_340 : vector<128x128xi32>
    %not3A_353 = arith.constant dense<-1> : vector<128x128xi32>
    %not3A_354 = arith.xori %add3A_350, %not3A_353 : vector<128x128xi32>
    %and3A_355 = arith.andi %or3A_352, %not3A_354 : vector<128x128xi32>
    %or3A_356 = arith.ori %and3A_351, %and3A_355 : vector<128x128xi32>
    %shift_right_logical3A_357 = arith.constant 31 : i32
    %shift_right_logical3A_358 = vector.broadcast %shift_right_logical3A_357 : i32 to vector<128x128xi32>
    %shift_right_logical3A_359 = arith.shrui %or3A_356, %shift_right_logical3A_358 : vector<128x128xi32>
    %shift_right_logical3A_360 = arith.constant 16 : i32
    %shift_right_logical3A_361 = vector.broadcast %shift_right_logical3A_360 : i32 to vector<128x128xi32>
    %shift_right_logical3A_362 = arith.shrui %mul3A_343, %shift_right_logical3A_361 : vector<128x128xi32>
    %add3A_363 = arith.addi %shift_right_logical3A_362, %shift_right_logical3A_359 : vector<128x128xi32>
    %xor3A_364 = arith.xori %add3A_337, %add3A_363 : vector<128x128xi32>
    %xor3A_365 = arith.xori %add3A_324, %add3A_350 : vector<128x128xi32>
    %add3A_366 = arith.constant 1893478731 : i32
    %add3A_367 = vector.broadcast %add3A_366 : i32 to vector<128x128xi32>
    %add3A_368 = arith.addi %xor3A_365, %add3A_367 : vector<128x128xi32>
    %and3A_369 = arith.constant 1893478731 : i32
    %and3A_370 = vector.broadcast %and3A_369 : i32 to vector<128x128xi32>
    %and3A_371 = arith.andi %xor3A_365, %and3A_370 : vector<128x128xi32>
    %or3A_372 = arith.constant 1893478731 : i32
    %or3A_373 = vector.broadcast %or3A_372 : i32 to vector<128x128xi32>
    %or3A_374 = arith.ori %xor3A_365, %or3A_373 : vector<128x128xi32>
    %not3A_375 = arith.constant dense<-1> : vector<128x128xi32>
    %not3A_376 = arith.xori %add3A_368, %not3A_375 : vector<128x128xi32>
    %and3A_377 = arith.andi %or3A_374, %not3A_376 : vector<128x128xi32>
    %or3A_378 = arith.ori %and3A_371, %and3A_377 : vector<128x128xi32>
    %shift_right_logical3A_379 = arith.constant 31 : i32
    %shift_right_logical3A_380 = vector.broadcast %shift_right_logical3A_379 : i32 to vector<128x128xi32>
    %shift_right_logical3A_381 = arith.shrui %or3A_378, %shift_right_logical3A_380 : vector<128x128xi32>
    %add3A_382 = arith.addi %xor3A_364, %shift_right_logical3A_381 : vector<128x128xi32>
    %shift_right_logical3A_383 = arith.constant 31 : i32
    %shift_right_logical3A_384 = vector.broadcast %shift_right_logical3A_383 : i32 to vector<128x128xi32>
    %shift_right_logical3A_385 = arith.shrui %add3A_368, %shift_right_logical3A_384 : vector<128x128xi32>
    %and3A_386 = arith.constant 2147483647 : i32
    %and3A_387 = vector.broadcast %and3A_386 : i32 to vector<128x128xi32>
    %and3A_388 = arith.andi %add3A_368, %and3A_387 : vector<128x128xi32>
    %jit3A_389 = arith.constant 99999 : i32
    %eq3A_390 = arith.constant 0 : i32
    %eq3A_391 = arith.cmpi eq, %jit3A_389, %eq3A_390 : i32
    %jit3A_392 = arith.constant 1 : i32
    %select_n3A_393 = arith.select %eq3A_391, %jit3A_392, %jit3A_389 : i32
    %rem3A_394 = vector.broadcast %select_n3A_393 : i32 to vector<128x128xi32>
    %rem3A_395 = arith.remsi %and3A_388, %rem3A_394 : vector<128x128xi32>
    %ne3A_396 = arith.constant 0 : i32
    %ne3A_397 = vector.broadcast %ne3A_396 : i32 to vector<128x128xi32>
    %ne3A_398 = arith.cmpi ne, %rem3A_395, %ne3A_397 : vector<128x128xi32>
    %lt3A_399 = arith.constant 0 : i32
    %lt3A_400 = vector.broadcast %lt3A_399 : i32 to vector<128x128xi32>
    %lt3A_401 = arith.cmpi slt, %rem3A_395, %lt3A_400 : vector<128x128xi32>
    %lt3A_402 = arith.constant 0 : i32
    %lt3A_403 = arith.cmpi slt, %select_n3A_393, %lt3A_402 : i32
    %ne3A_404 = vector.broadcast %lt3A_403 : i1 to vector<128x128xi1>
    %ne3A_405 = vector.broadcast %ne3A_404 : vector<128x128xi1> to vector<128x128xi1>
    %ne3A_406 = arith.xori %lt3A_401, %ne3A_405 : vector<128x128xi1>
    %and3A_407 = arith.andi %ne3A_406, %ne3A_398 : vector<128x128xi1>
    %add3A_408 = vector.broadcast %select_n3A_393 : i32 to vector<128x128xi32>
    %add3A_409 = arith.addi %rem3A_395, %add3A_408 : vector<128x128xi32>
    %select_n3A_410 = arith.select %and3A_407, %add3A_409, %rem3A_395 : vector<128x128xi1>, vector<128x128xi32>
    %mul3A_411 = arith.constant 5123 : i32
    %mul3A_412 = vector.broadcast %mul3A_411 : i32 to vector<128x128xi32>
    %mul3A_413 = arith.muli %shift_right_logical3A_385, %mul3A_412 : vector<128x128xi32>
    %add3A_414 = arith.addi %select_n3A_410, %mul3A_413 : vector<128x128xi32>
    %mul3A_415 = arith.constant 10246 : i32
    %mul3A_416 = vector.broadcast %mul3A_415 : i32 to vector<128x128xi32>
    %mul3A_417 = arith.muli %add3A_382, %mul3A_416 : vector<128x128xi32>
    %add3A_418 = arith.addi %mul3A_417, %add3A_414 : vector<128x128xi32>
    %jit3A_419 = arith.constant 99999 : i32
    %eq3A_420 = arith.constant 0 : i32
    %eq3A_421 = arith.cmpi eq, %jit3A_419, %eq3A_420 : i32
    %jit3A_422 = arith.constant 1 : i32
    %select_n3A_423 = arith.select %eq3A_421, %jit3A_422, %jit3A_419 : i32
    %rem3A_424 = vector.broadcast %select_n3A_423 : i32 to vector<128x128xi32>
    %rem3A_425 = arith.remsi %add3A_418, %rem3A_424 : vector<128x128xi32>
    %ne3A_426 = arith.constant 0 : i32
    %ne3A_427 = vector.broadcast %ne3A_426 : i32 to vector<128x128xi32>
    %ne3A_428 = arith.cmpi ne, %rem3A_425, %ne3A_427 : vector<128x128xi32>
    %lt3A_429 = arith.constant 0 : i32
    %lt3A_430 = vector.broadcast %lt3A_429 : i32 to vector<128x128xi32>
    %lt3A_431 = arith.cmpi slt, %rem3A_425, %lt3A_430 : vector<128x128xi32>
    %lt3A_432 = arith.constant 0 : i32
    %lt3A_433 = arith.cmpi slt, %select_n3A_423, %lt3A_432 : i32
    %ne3A_434 = vector.broadcast %lt3A_433 : i1 to vector<128x128xi1>
    %ne3A_435 = vector.broadcast %ne3A_434 : vector<128x128xi1> to vector<128x128xi1>
    %ne3A_436 = arith.xori %lt3A_431, %ne3A_435 : vector<128x128xi1>
    %and3A_437 = arith.andi %ne3A_436, %ne3A_428 : vector<128x128xi1>
    %add3A_438 = vector.broadcast %select_n3A_423 : i32 to vector<128x128xi32>
    %add3A_439 = arith.addi %rem3A_425, %add3A_438 : vector<128x128xi32>
    %select_n3A_440 = arith.select %and3A_437, %add3A_439, %rem3A_425 : vector<128x128xi1>, vector<128x128xi32>
    %add3A_441 = arith.constant 1 : i32
    %add3A_442 = vector.broadcast %add3A_441 : i32 to vector<128x128xi32>
    %add3A_443 = arith.addi %select_n3A_440, %add3A_442 : vector<128x128xi32>
    %ge3A_444 = arith.constant 1 : i32
    %ge3A_445 = vector.broadcast %ge3A_444 : i32 to vector<128x128xi32>
    %ge3A_446 = arith.cmpi sge, %add3A_25, %ge3A_445 : vector<128x128xi32>
    %jit3A_447 = arith.constant 0 : i32
    %broadcast_in_dim3A_448 = vector.broadcast %jit3A_447 : i32 to vector<128x128xi32>
    %select_n3A_449 = arith.select %ge3A_446, %add3A_443, %broadcast_in_dim3A_448 : vector<128x128xi1>, vector<128x128xi32>
    %add3A_450 = arith.constant 200000 : i32
    %add3A_451 = vector.broadcast %add3A_450 : i32 to vector<128x128xi32>
    %add3A_452 = arith.addi %select_n3A_449, %add3A_451 : vector<128x128xi32>
    %swap3A_453 = arith.constant 2 : index
    %swap3A_454 = arith.constant 0 : index
    %swap3A_455 = arith.constant 0 : index
    %swap3A_456 = vector.load %arg3[%swap3A_453, %swap3A_454, %swap3A_455] : memref<8x128x128xi32, #tpu.memory_space<vmem>>, vector<1x128x128xi32>
    %swap3A_457 = vector.shape_cast %swap3A_456 : vector<1x128x128xi32> to vector<128x128xi32>
    %swap3A_458 = vector.shape_cast %add3A_452 : vector<128x128xi32> to vector<1x128x128xi32>
    tpu.vector_store %arg3[%swap3A_453, %swap3A_454, %swap3A_455], %swap3A_458 {strides = array<i32>} : memref<8x128x128xi32, #tpu.memory_space<vmem>>, vector<1x128x128xi32>,
    %mul3A_459 = arith.constant 29313 : i32
    %mul3A_460 = vector.broadcast %mul3A_459 : i32 to vector<128x128xi32>
    %mul3A_461 = arith.muli %get3A_4, %mul3A_460 : vector<128x128xi32>
    %mul3A_462 = arith.constant 10 : i32
    %mul3A_463 = vector.broadcast %mul3A_462 : i32 to vector<128x128xi32>
    %mul3A_464 = arith.muli %get3A_4, %mul3A_463 : vector<128x128xi32>
    %and3A_465 = arith.constant 65535 : i32
    %and3A_466 = vector.broadcast %and3A_465 : i32 to vector<128x128xi32>
    %and3A_467 = arith.andi %mul3A_464, %and3A_466 : vector<128x128xi32>
    %shift_left3A_468 = arith.constant 16 : i32
    %shift_left3A_469 = vector.broadcast %shift_left3A_468 : i32 to vector<128x128xi32>
    %shift_left3A_470 = arith.shli %and3A_467, %shift_left3A_469 : vector<128x128xi32>
    %add3A_471 = arith.addi %shift_left3A_470, %mul3A_461 : vector<128x128xi32>
    %and3A_472 = arith.andi %shift_left3A_470, %mul3A_461 : vector<128x128xi32>
    %or3A_473 = arith.ori %shift_left3A_470, %mul3A_461 : vector<128x128xi32>
    %not3A_474 = arith.constant dense<-1> : vector<128x128xi32>
    %not3A_475 = arith.xori %add3A_471, %not3A_474 : vector<128x128xi32>
    %and3A_476 = arith.andi %or3A_473, %not3A_475 : vector<128x128xi32>
    %or3A_477 = arith.ori %and3A_472, %and3A_476 : vector<128x128xi32>
    %shift_right_logical3A_478 = arith.constant 31 : i32
    %shift_right_logical3A_479 = vector.broadcast %shift_right_logical3A_478 : i32 to vector<128x128xi32>
    %shift_right_logical3A_480 = arith.shrui %or3A_477, %shift_right_logical3A_479 : vector<128x128xi32>
    %shift_right_logical3A_481 = arith.constant 16 : i32
    %shift_right_logical3A_482 = vector.broadcast %shift_right_logical3A_481 : i32 to vector<128x128xi32>
    %shift_right_logical3A_483 = arith.shrui %mul3A_464, %shift_right_logical3A_482 : vector<128x128xi32>
    %add3A_484 = arith.addi %shift_right_logical3A_483, %shift_right_logical3A_480 : vector<128x128xi32>
    %mul3A_485 = arith.constant 29327 : i32
    %mul3A_486 = vector.broadcast %mul3A_485 : i32 to vector<128x128xi32>
    %mul3A_487 = arith.muli %get3A_1, %mul3A_486 : vector<128x128xi32>
    %mul3A_488 = arith.constant 19 : i32
    %mul3A_489 = vector.broadcast %mul3A_488 : i32 to vector<128x128xi32>
    %mul3A_490 = arith.muli %get3A_1, %mul3A_489 : vector<128x128xi32>
    %and3A_491 = arith.constant 65535 : i32
    %and3A_492 = vector.broadcast %and3A_491 : i32 to vector<128x128xi32>
    %and3A_493 = arith.andi %mul3A_490, %and3A_492 : vector<128x128xi32>
    %shift_left3A_494 = arith.constant 16 : i32
    %shift_left3A_495 = vector.broadcast %shift_left3A_494 : i32 to vector<128x128xi32>
    %shift_left3A_496 = arith.shli %and3A_493, %shift_left3A_495 : vector<128x128xi32>
    %add3A_497 = arith.addi %shift_left3A_496, %mul3A_487 : vector<128x128xi32>
    %and3A_498 = arith.andi %shift_left3A_496, %mul3A_487 : vector<128x128xi32>
    %or3A_499 = arith.ori %shift_left3A_496, %mul3A_487 : vector<128x128xi32>
    %not3A_500 = arith.constant dense<-1> : vector<128x128xi32>
    %not3A_501 = arith.xori %add3A_497, %not3A_500 : vector<128x128xi32>
    %and3A_502 = arith.andi %or3A_499, %not3A_501 : vector<128x128xi32>
    %or3A_503 = arith.ori %and3A_498, %and3A_502 : vector<128x128xi32>
    %shift_right_logical3A_504 = arith.constant 31 : i32
    %shift_right_logical3A_505 = vector.broadcast %shift_right_logical3A_504 : i32 to vector<128x128xi32>
    %shift_right_logical3A_506 = arith.shrui %or3A_503, %shift_right_logical3A_505 : vector<128x128xi32>
    %shift_right_logical3A_507 = arith.constant 16 : i32
    %shift_right_logical3A_508 = vector.broadcast %shift_right_logical3A_507 : i32 to vector<128x128xi32>
    %shift_right_logical3A_509 = arith.shrui %mul3A_490, %shift_right_logical3A_508 : vector<128x128xi32>
    %add3A_510 = arith.addi %shift_right_logical3A_509, %shift_right_logical3A_506 : vector<128x128xi32>
    %xor3A_511 = arith.xori %add3A_484, %add3A_510 : vector<128x128xi32>
    %xor3A_512 = arith.xori %add3A_471, %add3A_497 : vector<128x128xi32>
    %add3A_513 = arith.constant 141382942 : i32
    %add3A_514 = vector.broadcast %add3A_513 : i32 to vector<128x128xi32>
    %add3A_515 = arith.addi %xor3A_512, %add3A_514 : vector<128x128xi32>
    %and3A_516 = arith.constant 141382942 : i32
    %and3A_517 = vector.broadcast %and3A_516 : i32 to vector<128x128xi32>
    %and3A_518 = arith.andi %xor3A_512, %and3A_517 : vector<128x128xi32>
    %or3A_519 = arith.constant 141382942 : i32
    %or3A_520 = vector.broadcast %or3A_519 : i32 to vector<128x128xi32>
    %or3A_521 = arith.ori %xor3A_512, %or3A_520 : vector<128x128xi32>
    %not3A_522 = arith.constant dense<-1> : vector<128x128xi32>
    %not3A_523 = arith.xori %add3A_515, %not3A_522 : vector<128x128xi32>
    %and3A_524 = arith.andi %or3A_521, %not3A_523 : vector<128x128xi32>
    %or3A_525 = arith.ori %and3A_518, %and3A_524 : vector<128x128xi32>
    %shift_right_logical3A_526 = arith.constant 31 : i32
    %shift_right_logical3A_527 = vector.broadcast %shift_right_logical3A_526 : i32 to vector<128x128xi32>
    %shift_right_logical3A_528 = arith.shrui %or3A_525, %shift_right_logical3A_527 : vector<128x128xi32>
    %add3A_529 = arith.addi %xor3A_511, %shift_right_logical3A_528 : vector<128x128xi32>
    %shift_right_logical3A_530 = arith.constant 31 : i32
    %shift_right_logical3A_531 = vector.broadcast %shift_right_logical3A_530 : i32 to vector<128x128xi32>
    %shift_right_logical3A_532 = arith.shrui %add3A_515, %shift_right_logical3A_531 : vector<128x128xi32>
    %and3A_533 = arith.constant 2147483647 : i32
    %and3A_534 = vector.broadcast %and3A_533 : i32 to vector<128x128xi32>
    %and3A_535 = arith.andi %add3A_515, %and3A_534 : vector<128x128xi32>
    %jit3A_536 = arith.constant 99999 : i32
    %eq3A_537 = arith.constant 0 : i32
    %eq3A_538 = arith.cmpi eq, %jit3A_536, %eq3A_537 : i32
    %jit3A_539 = arith.constant 1 : i32
    %select_n3A_540 = arith.select %eq3A_538, %jit3A_539, %jit3A_536 : i32
    %rem3A_541 = vector.broadcast %select_n3A_540 : i32 to vector<128x128xi32>
    %rem3A_542 = arith.remsi %and3A_535, %rem3A_541 : vector<128x128xi32>
    %ne3A_543 = arith.constant 0 : i32
    %ne3A_544 = vector.broadcast %ne3A_543 : i32 to vector<128x128xi32>
    %ne3A_545 = arith.cmpi ne, %rem3A_542, %ne3A_544 : vector<128x128xi32>
    %lt3A_546 = arith.constant 0 : i32
    %lt3A_547 = vector.broadcast %lt3A_546 : i32 to vector<128x128xi32>
    %lt3A_548 = arith.cmpi slt, %rem3A_542, %lt3A_547 : vector<128x128xi32>
    %lt3A_549 = arith.constant 0 : i32
    %lt3A_550 = arith.cmpi slt, %select_n3A_540, %lt3A_549 : i32
    %ne3A_551 = vector.broadcast %lt3A_550 : i1 to vector<128x128xi1>
    %ne3A_552 = vector.broadcast %ne3A_551 : vector<128x128xi1> to vector<128x128xi1>
    %ne3A_553 = arith.xori %lt3A_548, %ne3A_552 : vector<128x128xi1>
    %and3A_554 = arith.andi %ne3A_553, %ne3A_545 : vector<128x128xi1>
    %add3A_555 = vector.broadcast %select_n3A_540 : i32 to vector<128x128xi32>
    %add3A_556 = arith.addi %rem3A_542, %add3A_555 : vector<128x128xi32>
    %select_n3A_557 = arith.select %and3A_554, %add3A_556, %rem3A_542 : vector<128x128xi1>, vector<128x128xi32>
    %mul3A_558 = arith.constant 5123 : i32
    %mul3A_559 = vector.broadcast %mul3A_558 : i32 to vector<128x128xi32>
    %mul3A_560 = arith.muli %shift_right_logical3A_532, %mul3A_559 : vector<128x128xi32>
    %add3A_561 = arith.addi %select_n3A_557, %mul3A_560 : vector<128x128xi32>
    %mul3A_562 = arith.constant 10246 : i32
    %mul3A_563 = vector.broadcast %mul3A_562 : i32 to vector<128x128xi32>
    %mul3A_564 = arith.muli %add3A_529, %mul3A_563 : vector<128x128xi32>
    %add3A_565 = arith.addi %mul3A_564, %add3A_561 : vector<128x128xi32>
    %jit3A_566 = arith.constant 99999 : i32
    %eq3A_567 = arith.constant 0 : i32
    %eq3A_568 = arith.cmpi eq, %jit3A_566, %eq3A_567 : i32
    %jit3A_569 = arith.constant 1 : i32
    %select_n3A_570 = arith.select %eq3A_568, %jit3A_569, %jit3A_566 : i32
    %rem3A_571 = vector.broadcast %select_n3A_570 : i32 to vector<128x128xi32>
    %rem3A_572 = arith.remsi %add3A_565, %rem3A_571 : vector<128x128xi32>
    %ne3A_573 = arith.constant 0 : i32
    %ne3A_574 = vector.broadcast %ne3A_573 : i32 to vector<128x128xi32>
    %ne3A_575 = arith.cmpi ne, %rem3A_572, %ne3A_574 : vector<128x128xi32>
    %lt3A_576 = arith.constant 0 : i32
    %lt3A_577 = vector.broadcast %lt3A_576 : i32 to vector<128x128xi32>
    %lt3A_578 = arith.cmpi slt, %rem3A_572, %lt3A_577 : vector<128x128xi32>
    %lt3A_579 = arith.constant 0 : i32
    %lt3A_580 = arith.cmpi slt, %select_n3A_570, %lt3A_579 : i32
    %ne3A_581 = vector.broadcast %lt3A_580 : i1 to vector<128x128xi1>
    %ne3A_582 = vector.broadcast %ne3A_581 : vector<128x128xi1> to vector<128x128xi1>
    %ne3A_583 = arith.xori %lt3A_578, %ne3A_582 : vector<128x128xi1>
    %and3A_584 = arith.andi %ne3A_583, %ne3A_575 : vector<128x128xi1>
    %add3A_585 = vector.broadcast %select_n3A_570 : i32 to vector<128x128xi32>
    %add3A_586 = arith.addi %rem3A_572, %add3A_585 : vector<128x128xi32>
    %select_n3A_587 = arith.select %and3A_584, %add3A_586, %rem3A_572 : vector<128x128xi1>, vector<128x128xi32>
    %add3A_588 = arith.constant 1 : i32
    %add3A_589 = vector.broadcast %add3A_588 : i32 to vector<128x128xi32>
    %add3A_590 = arith.addi %select_n3A_587, %add3A_589 : vector<128x128xi32>
    %ge3A_591 = arith.constant 1 : i32
    %ge3A_592 = vector.broadcast %ge3A_591 : i32 to vector<128x128xi32>
    %ge3A_593 = arith.cmpi sge, %add3A_25, %ge3A_592 : vector<128x128xi32>
    %jit3A_594 = arith.constant 0 : i32
    %broadcast_in_dim3A_595 = vector.broadcast %jit3A_594 : i32 to vector<128x128xi32>
    %select_n3A_596 = arith.select %ge3A_593, %add3A_590, %broadcast_in_dim3A_595 : vector<128x128xi1>, vector<128x128xi32>
    %add3A_597 = arith.constant 300000 : i32
    %add3A_598 = vector.broadcast %add3A_597 : i32 to vector<128x128xi32>
    %add3A_599 = arith.addi %select_n3A_596, %add3A_598 : vector<128x128xi32>
    %swap3A_600 = arith.constant 3 : index
    %swap3A_601 = arith.constant 0 : index
    %swap3A_602 = arith.constant 0 : index
    %swap3A_603 = vector.load %arg3[%swap3A_600, %swap3A_601, %swap3A_602] : memref<8x128x128xi32, #tpu.memory_space<vmem>>, vector<1x128x128xi32>
    %swap3A_604 = vector.shape_cast %swap3A_603 : vector<1x128x128xi32> to vector<128x128xi32>
    %swap3A_605 = vector.shape_cast %add3A_599 : vector<128x128xi32> to vector<1x128x128xi32>
    tpu.vector_store %arg3[%swap3A_600, %swap3A_601, %swap3A_602], %swap3A_605 {strides = array<i32>} : memref<8x128x128xi32, #tpu.memory_space<vmem>>, vector<1x128x128xi32>,
    %mul3A_606 = arith.constant 48783 : i32
    %mul3A_607 = vector.broadcast %mul3A_606 : i32 to vector<128x128xi32>
    %mul3A_608 = arith.muli %get3A_7, %mul3A_607 : vector<128x128xi32>
    %mul3A_609 = arith.constant 3 : i32
    %mul3A_610 = vector.broadcast %mul3A_609 : i32 to vector<128x128xi32>
    %mul3A_611 = arith.muli %get3A_7, %mul3A_610 : vector<128x128xi32>
    %and3A_612 = arith.constant 65535 : i32
    %and3A_613 = vector.broadcast %and3A_612 : i32 to vector<128x128xi32>
    %and3A_614 = arith.andi %mul3A_611, %and3A_613 : vector<128x128xi32>
    %shift_left3A_615 = arith.constant 16 : i32
    %shift_left3A_616 = vector.broadcast %shift_left3A_615 : i32 to vector<128x128xi32>
    %shift_left3A_617 = arith.shli %and3A_614, %shift_left3A_616 : vector<128x128xi32>
    %add3A_618 = arith.addi %shift_left3A_617, %mul3A_608 : vector<128x128xi32>
    %and3A_619 = arith.andi %shift_left3A_617, %mul3A_608 : vector<128x128xi32>
    %or3A_620 = arith.ori %shift_left3A_617, %mul3A_608 : vector<128x128xi32>
    %not3A_621 = arith.constant dense<-1> : vector<128x128xi32>
    %not3A_622 = arith.xori %add3A_618, %not3A_621 : vector<128x128xi32>
    %and3A_623 = arith.andi %or3A_620, %not3A_622 : vector<128x128xi32>
    %or3A_624 = arith.ori %and3A_619, %and3A_623 : vector<128x128xi32>
    %shift_right_logical3A_625 = arith.constant 31 : i32
    %shift_right_logical3A_626 = vector.broadcast %shift_right_logical3A_625 : i32 to vector<128x128xi32>
    %shift_right_logical3A_627 = arith.shrui %or3A_624, %shift_right_logical3A_626 : vector<128x128xi32>
    %shift_right_logical3A_628 = arith.constant 16 : i32
    %shift_right_logical3A_629 = vector.broadcast %shift_right_logical3A_628 : i32 to vector<128x128xi32>
    %shift_right_logical3A_630 = arith.shrui %mul3A_611, %shift_right_logical3A_629 : vector<128x128xi32>
    %add3A_631 = arith.addi %shift_right_logical3A_630, %shift_right_logical3A_627 : vector<128x128xi32>
    %mul3A_632 = arith.constant 48791 : i32
    %mul3A_633 = vector.broadcast %mul3A_632 : i32 to vector<128x128xi32>
    %mul3A_634 = arith.muli %get3A_4, %mul3A_633 : vector<128x128xi32>
    %mul3A_635 = arith.constant 6 : i32
    %mul3A_636 = vector.broadcast %mul3A_635 : i32 to vector<128x128xi32>
    %mul3A_637 = arith.muli %get3A_4, %mul3A_636 : vector<128x128xi32>
    %and3A_638 = arith.constant 65535 : i32
    %and3A_639 = vector.broadcast %and3A_638 : i32 to vector<128x128xi32>
    %and3A_640 = arith.andi %mul3A_637, %and3A_639 : vector<128x128xi32>
    %shift_left3A_641 = arith.constant 16 : i32
    %shift_left3A_642 = vector.broadcast %shift_left3A_641 : i32 to vector<128x128xi32>
    %shift_left3A_643 = arith.shli %and3A_640, %shift_left3A_642 : vector<128x128xi32>
    %add3A_644 = arith.addi %shift_left3A_643, %mul3A_634 : vector<128x128xi32>
    %and3A_645 = arith.andi %shift_left3A_643, %mul3A_634 : vector<128x128xi32>
    %or3A_646 = arith.ori %shift_left3A_643, %mul3A_634 : vector<128x128xi32>
    %not3A_647 = arith.constant dense<-1> : vector<128x128xi32>
    %not3A_648 = arith.xori %add3A_644, %not3A_647 : vector<128x128xi32>
    %and3A_649 = arith.andi %or3A_646, %not3A_648 : vector<128x128xi32>
    %or3A_650 = arith.ori %and3A_645, %and3A_649 : vector<128x128xi32>
    %shift_right_logical3A_651 = arith.constant 31 : i32
    %shift_right_logical3A_652 = vector.broadcast %shift_right_logical3A_651 : i32 to vector<128x128xi32>
    %shift_right_logical3A_653 = arith.shrui %or3A_650, %shift_right_logical3A_652 : vector<128x128xi32>
    %shift_right_logical3A_654 = arith.constant 16 : i32
    %shift_right_logical3A_655 = vector.broadcast %shift_right_logical3A_654 : i32 to vector<128x128xi32>
    %shift_right_logical3A_656 = arith.shrui %mul3A_637, %shift_right_logical3A_655 : vector<128x128xi32>
    %add3A_657 = arith.addi %shift_right_logical3A_656, %shift_right_logical3A_653 : vector<128x128xi32>
    %xor3A_658 = arith.xori %add3A_631, %add3A_657 : vector<128x128xi32>
    %xor3A_659 = arith.xori %add3A_618, %add3A_644 : vector<128x128xi32>
    %mul3A_660 = arith.constant 48799 : i32
    %mul3A_661 = vector.broadcast %mul3A_660 : i32 to vector<128x128xi32>
    %mul3A_662 = arith.muli %get3A_1, %mul3A_661 : vector<128x128xi32>
    %mul3A_663 = arith.constant 9 : i32
    %mul3A_664 = vector.broadcast %mul3A_663 : i32 to vector<128x128xi32>
    %mul3A_665 = arith.muli %get3A_1, %mul3A_664 : vector<128x128xi32>
    %and3A_666 = arith.constant 65535 : i32
    %and3A_667 = vector.broadcast %and3A_666 : i32 to vector<128x128xi32>
    %and3A_668 = arith.andi %mul3A_665, %and3A_667 : vector<128x128xi32>
    %shift_left3A_669 = arith.constant 16 : i32
    %shift_left3A_670 = vector.broadcast %shift_left3A_669 : i32 to vector<128x128xi32>
    %shift_left3A_671 = arith.shli %and3A_668, %shift_left3A_670 : vector<128x128xi32>
    %add3A_672 = arith.addi %shift_left3A_671, %mul3A_662 : vector<128x128xi32>
    %and3A_673 = arith.andi %shift_left3A_671, %mul3A_662 : vector<128x128xi32>
    %or3A_674 = arith.ori %shift_left3A_671, %mul3A_662 : vector<128x128xi32>
    %not3A_675 = arith.constant dense<-1> : vector<128x128xi32>
    %not3A_676 = arith.xori %add3A_672, %not3A_675 : vector<128x128xi32>
    %and3A_677 = arith.andi %or3A_674, %not3A_676 : vector<128x128xi32>
    %or3A_678 = arith.ori %and3A_673, %and3A_677 : vector<128x128xi32>
    %shift_right_logical3A_679 = arith.constant 31 : i32
    %shift_right_logical3A_680 = vector.broadcast %shift_right_logical3A_679 : i32 to vector<128x128xi32>
    %shift_right_logical3A_681 = arith.shrui %or3A_678, %shift_right_logical3A_680 : vector<128x128xi32>
    %shift_right_logical3A_682 = arith.constant 16 : i32
    %shift_right_logical3A_683 = vector.broadcast %shift_right_logical3A_682 : i32 to vector<128x128xi32>
    %shift_right_logical3A_684 = arith.shrui %mul3A_665, %shift_right_logical3A_683 : vector<128x128xi32>
    %add3A_685 = arith.addi %shift_right_logical3A_684, %shift_right_logical3A_681 : vector<128x128xi32>
    %xor3A_686 = arith.xori %xor3A_658, %add3A_685 : vector<128x128xi32>
    %xor3A_687 = arith.xori %xor3A_659, %add3A_672 : vector<128x128xi32>
    %add3A_688 = arith.constant 1177185265 : i32
    %add3A_689 = vector.broadcast %add3A_688 : i32 to vector<128x128xi32>
    %add3A_690 = arith.addi %xor3A_687, %add3A_689 : vector<128x128xi32>
    %and3A_691 = arith.constant 1177185265 : i32
    %and3A_692 = vector.broadcast %and3A_691 : i32 to vector<128x128xi32>
    %and3A_693 = arith.andi %xor3A_687, %and3A_692 : vector<128x128xi32>
    %or3A_694 = arith.constant 1177185265 : i32
    %or3A_695 = vector.broadcast %or3A_694 : i32 to vector<128x128xi32>
    %or3A_696 = arith.ori %xor3A_687, %or3A_695 : vector<128x128xi32>
    %not3A_697 = arith.constant dense<-1> : vector<128x128xi32>
    %not3A_698 = arith.xori %add3A_690, %not3A_697 : vector<128x128xi32>
    %and3A_699 = arith.andi %or3A_696, %not3A_698 : vector<128x128xi32>
    %or3A_700 = arith.ori %and3A_693, %and3A_699 : vector<128x128xi32>
    %shift_right_logical3A_701 = arith.constant 31 : i32
    %shift_right_logical3A_702 = vector.broadcast %shift_right_logical3A_701 : i32 to vector<128x128xi32>
    %shift_right_logical3A_703 = arith.shrui %or3A_700, %shift_right_logical3A_702 : vector<128x128xi32>
    %add3A_704 = arith.addi %xor3A_686, %shift_right_logical3A_703 : vector<128x128xi32>
    %shift_right_logical3A_705 = arith.constant 31 : i32
    %shift_right_logical3A_706 = vector.broadcast %shift_right_logical3A_705 : i32 to vector<128x128xi32>
    %shift_right_logical3A_707 = arith.shrui %add3A_690, %shift_right_logical3A_706 : vector<128x128xi32>
    %and3A_708 = arith.constant 2147483647 : i32
    %and3A_709 = vector.broadcast %and3A_708 : i32 to vector<128x128xi32>
    %and3A_710 = arith.andi %add3A_690, %and3A_709 : vector<128x128xi32>
    %jit3A_711 = arith.constant 99999 : i32
    %eq3A_712 = arith.constant 0 : i32
    %eq3A_713 = arith.cmpi eq, %jit3A_711, %eq3A_712 : i32
    %jit3A_714 = arith.constant 1 : i32
    %select_n3A_715 = arith.select %eq3A_713, %jit3A_714, %jit3A_711 : i32
    %rem3A_716 = vector.broadcast %select_n3A_715 : i32 to vector<128x128xi32>
    %rem3A_717 = arith.remsi %and3A_710, %rem3A_716 : vector<128x128xi32>
    %ne3A_718 = arith.constant 0 : i32
    %ne3A_719 = vector.broadcast %ne3A_718 : i32 to vector<128x128xi32>
    %ne3A_720 = arith.cmpi ne, %rem3A_717, %ne3A_719 : vector<128x128xi32>
    %lt3A_721 = arith.constant 0 : i32
    %lt3A_722 = vector.broadcast %lt3A_721 : i32 to vector<128x128xi32>
    %lt3A_723 = arith.cmpi slt, %rem3A_717, %lt3A_722 : vector<128x128xi32>
    %lt3A_724 = arith.constant 0 : i32
    %lt3A_725 = arith.cmpi slt, %select_n3A_715, %lt3A_724 : i32
    %ne3A_726 = vector.broadcast %lt3A_725 : i1 to vector<128x128xi1>
    %ne3A_727 = vector.broadcast %ne3A_726 : vector<128x128xi1> to vector<128x128xi1>
    %ne3A_728 = arith.xori %lt3A_723, %ne3A_727 : vector<128x128xi1>
    %and3A_729 = arith.andi %ne3A_728, %ne3A_720 : vector<128x128xi1>
    %add3A_730 = vector.broadcast %select_n3A_715 : i32 to vector<128x128xi32>
    %add3A_731 = arith.addi %rem3A_717, %add3A_730 : vector<128x128xi32>
    %select_n3A_732 = arith.select %and3A_729, %add3A_731, %rem3A_717 : vector<128x128xi1>, vector<128x128xi32>
    %mul3A_733 = arith.constant 5123 : i32
    %mul3A_734 = vector.broadcast %mul3A_733 : i32 to vector<128x128xi32>
    %mul3A_735 = arith.muli %shift_right_logical3A_707, %mul3A_734 : vector<128x128xi32>
    %add3A_736 = arith.addi %select_n3A_732, %mul3A_735 : vector<128x128xi32>
    %mul3A_737 = arith.constant 10246 : i32
    %mul3A_738 = vector.broadcast %mul3A_737 : i32 to vector<128x128xi32>
    %mul3A_739 = arith.muli %add3A_704, %mul3A_738 : vector<128x128xi32>
    %add3A_740 = arith.addi %mul3A_739, %add3A_736 : vector<128x128xi32>
    %jit3A_741 = arith.constant 99999 : i32
    %eq3A_742 = arith.constant 0 : i32
    %eq3A_743 = arith.cmpi eq, %jit3A_741, %eq3A_742 : i32
    %jit3A_744 = arith.constant 1 : i32
    %select_n3A_745 = arith.select %eq3A_743, %jit3A_744, %jit3A_741 : i32
    %rem3A_746 = vector.broadcast %select_n3A_745 : i32 to vector<128x128xi32>
    %rem3A_747 = arith.remsi %add3A_740, %rem3A_746 : vector<128x128xi32>
    %ne3A_748 = arith.constant 0 : i32
    %ne3A_749 = vector.broadcast %ne3A_748 : i32 to vector<128x128xi32>
    %ne3A_750 = arith.cmpi ne, %rem3A_747, %ne3A_749 : vector<128x128xi32>
    %lt3A_751 = arith.constant 0 : i32
    %lt3A_752 = vector.broadcast %lt3A_751 : i32 to vector<128x128xi32>
    %lt3A_753 = arith.cmpi slt, %rem3A_747, %lt3A_752 : vector<128x128xi32>
    %lt3A_754 = arith.constant 0 : i32
    %lt3A_755 = arith.cmpi slt, %select_n3A_745, %lt3A_754 : i32
    %ne3A_756 = vector.broadcast %lt3A_755 : i1 to vector<128x128xi1>
    %ne3A_757 = vector.broadcast %ne3A_756 : vector<128x128xi1> to vector<128x128xi1>
    %ne3A_758 = arith.xori %lt3A_753, %ne3A_757 : vector<128x128xi1>
    %and3A_759 = arith.andi %ne3A_758, %ne3A_750 : vector<128x128xi1>
    %add3A_760 = vector.broadcast %select_n3A_745 : i32 to vector<128x128xi32>
    %add3A_761 = arith.addi %rem3A_747, %add3A_760 : vector<128x128xi32>
    %select_n3A_762 = arith.select %and3A_759, %add3A_761, %rem3A_747 : vector<128x128xi1>, vector<128x128xi32>
    %add3A_763 = arith.constant 1 : i32
    %add3A_764 = vector.broadcast %add3A_763 : i32 to vector<128x128xi32>
    %add3A_765 = arith.addi %select_n3A_762, %add3A_764 : vector<128x128xi32>
    %ge3A_766 = arith.constant 2 : i32
    %ge3A_767 = vector.broadcast %ge3A_766 : i32 to vector<128x128xi32>
    %ge3A_768 = arith.cmpi sge, %add3A_25, %ge3A_767 : vector<128x128xi32>
    %jit3A_769 = arith.constant 0 : i32
    %broadcast_in_dim3A_770 = vector.broadcast %jit3A_769 : i32 to vector<128x128xi32>
    %select_n3A_771 = arith.select %ge3A_768, %add3A_765, %broadcast_in_dim3A_770 : vector<128x128xi1>, vector<128x128xi32>
    %add3A_772 = arith.constant 400000 : i32
    %add3A_773 = vector.broadcast %add3A_772 : i32 to vector<128x128xi32>
    %add3A_774 = arith.addi %select_n3A_771, %add3A_773 : vector<128x128xi32>
    %swap3A_775 = arith.constant 4 : index
    %swap3A_776 = arith.constant 0 : index
    %swap3A_777 = arith.constant 0 : index
    %swap3A_778 = vector.load %arg3[%swap3A_775, %swap3A_776, %swap3A_777] : memref<8x128x128xi32, #tpu.memory_space<vmem>>, vector<1x128x128xi32>
    %swap3A_779 = vector.shape_cast %swap3A_778 : vector<1x128x128xi32> to vector<128x128xi32>
    %swap3A_780 = vector.shape_cast %add3A_774 : vector<128x128xi32> to vector<1x128x128xi32>
    tpu.vector_store %arg3[%swap3A_775, %swap3A_776, %swap3A_777], %swap3A_780 {strides = array<i32>} : memref<8x128x128xi32, #tpu.memory_space<vmem>>, vector<1x128x128xi32>,
    %mul3A_781 = arith.constant 65167 : i32
    %mul3A_782 = vector.broadcast %mul3A_781 : i32 to vector<128x128xi32>
    %mul3A_783 = arith.muli %get3A_7, %mul3A_782 : vector<128x128xi32>
    %mul3A_784 = arith.constant 5 : i32
    %mul3A_785 = vector.broadcast %mul3A_784 : i32 to vector<128x128xi32>
    %mul3A_786 = arith.muli %get3A_7, %mul3A_785 : vector<128x128xi32>
    %and3A_787 = arith.constant 65535 : i32
    %and3A_788 = vector.broadcast %and3A_787 : i32 to vector<128x128xi32>
    %and3A_789 = arith.andi %mul3A_786, %and3A_788 : vector<128x128xi32>
    %shift_left3A_790 = arith.constant 16 : i32
    %shift_left3A_791 = vector.broadcast %shift_left3A_790 : i32 to vector<128x128xi32>
    %shift_left3A_792 = arith.shli %and3A_789, %shift_left3A_791 : vector<128x128xi32>
    %add3A_793 = arith.addi %shift_left3A_792, %mul3A_783 : vector<128x128xi32>
    %and3A_794 = arith.andi %shift_left3A_792, %mul3A_783 : vector<128x128xi32>
    %or3A_795 = arith.ori %shift_left3A_792, %mul3A_783 : vector<128x128xi32>
    %not3A_796 = arith.constant dense<-1> : vector<128x128xi32>
    %not3A_797 = arith.xori %add3A_793, %not3A_796 : vector<128x128xi32>
    %and3A_798 = arith.andi %or3A_795, %not3A_797 : vector<128x128xi32>
    %or3A_799 = arith.ori %and3A_794, %and3A_798 : vector<128x128xi32>
    %shift_right_logical3A_800 = arith.constant 31 : i32
    %shift_right_logical3A_801 = vector.broadcast %shift_right_logical3A_800 : i32 to vector<128x128xi32>
    %shift_right_logical3A_802 = arith.shrui %or3A_799, %shift_right_logical3A_801 : vector<128x128xi32>
    %shift_right_logical3A_803 = arith.constant 16 : i32
    %shift_right_logical3A_804 = vector.broadcast %shift_right_logical3A_803 : i32 to vector<128x128xi32>
    %shift_right_logical3A_805 = arith.shrui %mul3A_786, %shift_right_logical3A_804 : vector<128x128xi32>
    %add3A_806 = arith.addi %shift_right_logical3A_805, %shift_right_logical3A_802 : vector<128x128xi32>
    %mul3A_807 = arith.constant 65177 : i32
    %mul3A_808 = vector.broadcast %mul3A_807 : i32 to vector<128x128xi32>
    %mul3A_809 = arith.muli %get3A_4, %mul3A_808 : vector<128x128xi32>
    %mul3A_810 = arith.constant 10 : i32
    %mul3A_811 = vector.broadcast %mul3A_810 : i32 to vector<128x128xi32>
    %mul3A_812 = arith.muli %get3A_4, %mul3A_811 : vector<128x128xi32>
    %and3A_813 = arith.constant 65535 : i32
    %and3A_814 = vector.broadcast %and3A_813 : i32 to vector<128x128xi32>
    %and3A_815 = arith.andi %mul3A_812, %and3A_814 : vector<128x128xi32>
    %shift_left3A_816 = arith.constant 16 : i32
    %shift_left3A_817 = vector.broadcast %shift_left3A_816 : i32 to vector<128x128xi32>
    %shift_left3A_818 = arith.shli %and3A_815, %shift_left3A_817 : vector<128x128xi32>
    %add3A_819 = arith.addi %shift_left3A_818, %mul3A_809 : vector<128x128xi32>
    %and3A_820 = arith.andi %shift_left3A_818, %mul3A_809 : vector<128x128xi32>
    %or3A_821 = arith.ori %shift_left3A_818, %mul3A_809 : vector<128x128xi32>
    %not3A_822 = arith.constant dense<-1> : vector<128x128xi32>
    %not3A_823 = arith.xori %add3A_819, %not3A_822 : vector<128x128xi32>
    %and3A_824 = arith.andi %or3A_821, %not3A_823 : vector<128x128xi32>
    %or3A_825 = arith.ori %and3A_820, %and3A_824 : vector<128x128xi32>
    %shift_right_logical3A_826 = arith.constant 31 : i32
    %shift_right_logical3A_827 = vector.broadcast %shift_right_logical3A_826 : i32 to vector<128x128xi32>
    %shift_right_logical3A_828 = arith.shrui %or3A_825, %shift_right_logical3A_827 : vector<128x128xi32>
    %shift_right_logical3A_829 = arith.constant 16 : i32
    %shift_right_logical3A_830 = vector.broadcast %shift_right_logical3A_829 : i32 to vector<128x128xi32>
    %shift_right_logical3A_831 = arith.shrui %mul3A_812, %shift_right_logical3A_830 : vector<128x128xi32>
    %add3A_832 = arith.addi %shift_right_logical3A_831, %shift_right_logical3A_828 : vector<128x128xi32>
    %xor3A_833 = arith.xori %add3A_806, %add3A_832 : vector<128x128xi32>
    %xor3A_834 = arith.xori %add3A_793, %add3A_819 : vector<128x128xi32>
    %mul3A_835 = arith.constant 65187 : i32
    %mul3A_836 = vector.broadcast %mul3A_835 : i32 to vector<128x128xi32>
    %mul3A_837 = arith.muli %get3A_1, %mul3A_836 : vector<128x128xi32>
    %mul3A_838 = arith.constant 15 : i32
    %mul3A_839 = vector.broadcast %mul3A_838 : i32 to vector<128x128xi32>
    %mul3A_840 = arith.muli %get3A_1, %mul3A_839 : vector<128x128xi32>
    %and3A_841 = arith.constant 65535 : i32
    %and3A_842 = vector.broadcast %and3A_841 : i32 to vector<128x128xi32>
    %and3A_843 = arith.andi %mul3A_840, %and3A_842 : vector<128x128xi32>
    %shift_left3A_844 = arith.constant 16 : i32
    %shift_left3A_845 = vector.broadcast %shift_left3A_844 : i32 to vector<128x128xi32>
    %shift_left3A_846 = arith.shli %and3A_843, %shift_left3A_845 : vector<128x128xi32>
    %add3A_847 = arith.addi %shift_left3A_846, %mul3A_837 : vector<128x128xi32>
    %and3A_848 = arith.andi %shift_left3A_846, %mul3A_837 : vector<128x128xi32>
    %or3A_849 = arith.ori %shift_left3A_846, %mul3A_837 : vector<128x128xi32>
    %not3A_850 = arith.constant dense<-1> : vector<128x128xi32>
    %not3A_851 = arith.xori %add3A_847, %not3A_850 : vector<128x128xi32>
    %and3A_852 = arith.andi %or3A_849, %not3A_851 : vector<128x128xi32>
    %or3A_853 = arith.ori %and3A_848, %and3A_852 : vector<128x128xi32>
    %shift_right_logical3A_854 = arith.constant 31 : i32
    %shift_right_logical3A_855 = vector.broadcast %shift_right_logical3A_854 : i32 to vector<128x128xi32>
    %shift_right_logical3A_856 = arith.shrui %or3A_853, %shift_right_logical3A_855 : vector<128x128xi32>
    %shift_right_logical3A_857 = arith.constant 16 : i32
    %shift_right_logical3A_858 = vector.broadcast %shift_right_logical3A_857 : i32 to vector<128x128xi32>
    %shift_right_logical3A_859 = arith.shrui %mul3A_840, %shift_right_logical3A_858 : vector<128x128xi32>
    %add3A_860 = arith.addi %shift_right_logical3A_859, %shift_right_logical3A_856 : vector<128x128xi32>
    %xor3A_861 = arith.xori %xor3A_833, %add3A_860 : vector<128x128xi32>
    %xor3A_862 = arith.xori %xor3A_834, %add3A_847 : vector<128x128xi32>
    %add3A_863 = arith.constant 1572573123 : i32
    %add3A_864 = vector.broadcast %add3A_863 : i32 to vector<128x128xi32>
    %add3A_865 = arith.addi %xor3A_862, %add3A_864 : vector<128x128xi32>
    %and3A_866 = arith.constant 1572573123 : i32
    %and3A_867 = vector.broadcast %and3A_866 : i32 to vector<128x128xi32>
    %and3A_868 = arith.andi %xor3A_862, %and3A_867 : vector<128x128xi32>
    %or3A_869 = arith.constant 1572573123 : i32
    %or3A_870 = vector.broadcast %or3A_869 : i32 to vector<128x128xi32>
    %or3A_871 = arith.ori %xor3A_862, %or3A_870 : vector<128x128xi32>
    %not3A_872 = arith.constant dense<-1> : vector<128x128xi32>
    %not3A_873 = arith.xori %add3A_865, %not3A_872 : vector<128x128xi32>
    %and3A_874 = arith.andi %or3A_871, %not3A_873 : vector<128x128xi32>
    %or3A_875 = arith.ori %and3A_868, %and3A_874 : vector<128x128xi32>
    %shift_right_logical3A_876 = arith.constant 31 : i32
    %shift_right_logical3A_877 = vector.broadcast %shift_right_logical3A_876 : i32 to vector<128x128xi32>
    %shift_right_logical3A_878 = arith.shrui %or3A_875, %shift_right_logical3A_877 : vector<128x128xi32>
    %add3A_879 = arith.addi %xor3A_861, %shift_right_logical3A_878 : vector<128x128xi32>
    %shift_right_logical3A_880 = arith.constant 31 : i32
    %shift_right_logical3A_881 = vector.broadcast %shift_right_logical3A_880 : i32 to vector<128x128xi32>
    %shift_right_logical3A_882 = arith.shrui %add3A_865, %shift_right_logical3A_881 : vector<128x128xi32>
    %and3A_883 = arith.constant 2147483647 : i32
    %and3A_884 = vector.broadcast %and3A_883 : i32 to vector<128x128xi32>
    %and3A_885 = arith.andi %add3A_865, %and3A_884 : vector<128x128xi32>
    %jit3A_886 = arith.constant 99999 : i32
    %eq3A_887 = arith.constant 0 : i32
    %eq3A_888 = arith.cmpi eq, %jit3A_886, %eq3A_887 : i32
    %jit3A_889 = arith.constant 1 : i32
    %select_n3A_890 = arith.select %eq3A_888, %jit3A_889, %jit3A_886 : i32
    %rem3A_891 = vector.broadcast %select_n3A_890 : i32 to vector<128x128xi32>
    %rem3A_892 = arith.remsi %and3A_885, %rem3A_891 : vector<128x128xi32>
    %ne3A_893 = arith.constant 0 : i32
    %ne3A_894 = vector.broadcast %ne3A_893 : i32 to vector<128x128xi32>
    %ne3A_895 = arith.cmpi ne, %rem3A_892, %ne3A_894 : vector<128x128xi32>
    %lt3A_896 = arith.constant 0 : i32
    %lt3A_897 = vector.broadcast %lt3A_896 : i32 to vector<128x128xi32>
    %lt3A_898 = arith.cmpi slt, %rem3A_892, %lt3A_897 : vector<128x128xi32>
    %lt3A_899 = arith.constant 0 : i32
    %lt3A_900 = arith.cmpi slt, %select_n3A_890, %lt3A_899 : i32
    %ne3A_901 = vector.broadcast %lt3A_900 : i1 to vector<128x128xi1>
    %ne3A_902 = vector.broadcast %ne3A_901 : vector<128x128xi1> to vector<128x128xi1>
    %ne3A_903 = arith.xori %lt3A_898, %ne3A_902 : vector<128x128xi1>
    %and3A_904 = arith.andi %ne3A_903, %ne3A_895 : vector<128x128xi1>
    %add3A_905 = vector.broadcast %select_n3A_890 : i32 to vector<128x128xi32>
    %add3A_906 = arith.addi %rem3A_892, %add3A_905 : vector<128x128xi32>
    %select_n3A_907 = arith.select %and3A_904, %add3A_906, %rem3A_892 : vector<128x128xi1>, vector<128x128xi32>
    %mul3A_908 = arith.constant 5123 : i32
    %mul3A_909 = vector.broadcast %mul3A_908 : i32 to vector<128x128xi32>
    %mul3A_910 = arith.muli %shift_right_logical3A_882, %mul3A_909 : vector<128x128xi32>
    %add3A_911 = arith.addi %select_n3A_907, %mul3A_910 : vector<128x128xi32>
    %mul3A_912 = arith.constant 10246 : i32
    %mul3A_913 = vector.broadcast %mul3A_912 : i32 to vector<128x128xi32>
    %mul3A_914 = arith.muli %add3A_879, %mul3A_913 : vector<128x128xi32>
    %add3A_915 = arith.addi %mul3A_914, %add3A_911 : vector<128x128xi32>
    %jit3A_916 = arith.constant 99999 : i32
    %eq3A_917 = arith.constant 0 : i32
    %eq3A_918 = arith.cmpi eq, %jit3A_916, %eq3A_917 : i32
    %jit3A_919 = arith.constant 1 : i32
    %select_n3A_920 = arith.select %eq3A_918, %jit3A_919, %jit3A_916 : i32
    %rem3A_921 = vector.broadcast %select_n3A_920 : i32 to vector<128x128xi32>
    %rem3A_922 = arith.remsi %add3A_915, %rem3A_921 : vector<128x128xi32>
    %ne3A_923 = arith.constant 0 : i32
    %ne3A_924 = vector.broadcast %ne3A_923 : i32 to vector<128x128xi32>
    %ne3A_925 = arith.cmpi ne, %rem3A_922, %ne3A_924 : vector<128x128xi32>
    %lt3A_926 = arith.constant 0 : i32
    %lt3A_927 = vector.broadcast %lt3A_926 : i32 to vector<128x128xi32>
    %lt3A_928 = arith.cmpi slt, %rem3A_922, %lt3A_927 : vector<128x128xi32>
    %lt3A_929 = arith.constant 0 : i32
    %lt3A_930 = arith.cmpi slt, %select_n3A_920, %lt3A_929 : i32
    %ne3A_931 = vector.broadcast %lt3A_930 : i1 to vector<128x128xi1>
    %ne3A_932 = vector.broadcast %ne3A_931 : vector<128x128xi1> to vector<128x128xi1>
    %ne3A_933 = arith.xori %lt3A_928, %ne3A_932 : vector<128x128xi1>
    %and3A_934 = arith.andi %ne3A_933, %ne3A_925 : vector<128x128xi1>
    %add3A_935 = vector.broadcast %select_n3A_920 : i32 to vector<128x128xi32>
    %add3A_936 = arith.addi %rem3A_922, %add3A_935 : vector<128x128xi32>
    %select_n3A_937 = arith.select %and3A_934, %add3A_936, %rem3A_922 : vector<128x128xi1>, vector<128x128xi32>
    %add3A_938 = arith.constant 1 : i32
    %add3A_939 = vector.broadcast %add3A_938 : i32 to vector<128x128xi32>
    %add3A_940 = arith.addi %select_n3A_937, %add3A_939 : vector<128x128xi32>
    %ge3A_941 = arith.constant 2 : i32
    %ge3A_942 = vector.broadcast %ge3A_941 : i32 to vector<128x128xi32>
    %ge3A_943 = arith.cmpi sge, %add3A_25, %ge3A_942 : vector<128x128xi32>
    %jit3A_944 = arith.constant 0 : i32
    %broadcast_in_dim3A_945 = vector.broadcast %jit3A_944 : i32 to vector<128x128xi32>
    %select_n3A_946 = arith.select %ge3A_943, %add3A_940, %broadcast_in_dim3A_945 : vector<128x128xi1>, vector<128x128xi32>
    %add3A_947 = arith.constant 500000 : i32
    %add3A_948 = vector.broadcast %add3A_947 : i32 to vector<128x128xi32>
    %add3A_949 = arith.addi %select_n3A_946, %add3A_948 : vector<128x128xi32>
    %swap3A_950 = arith.constant 5 : index
    %swap3A_951 = arith.constant 0 : index
    %swap3A_952 = arith.constant 0 : index
    %swap3A_953 = vector.load %arg3[%swap3A_950, %swap3A_951, %swap3A_952] : memref<8x128x128xi32, #tpu.memory_space<vmem>>, vector<1x128x128xi32>
    %swap3A_954 = vector.shape_cast %swap3A_953 : vector<1x128x128xi32> to vector<128x128xi32>
    %swap3A_955 = vector.shape_cast %add3A_949 : vector<128x128xi32> to vector<1x128x128xi32>
    tpu.vector_store %arg3[%swap3A_950, %swap3A_951, %swap3A_952], %swap3A_955 {strides = array<i32>} : memref<8x128x128xi32, #tpu.memory_space<vmem>>, vector<1x128x128xi32>,
    %mul3A_956 = arith.constant 16015 : i32
    %mul3A_957 = vector.broadcast %mul3A_956 : i32 to vector<128x128xi32>
    %mul3A_958 = arith.muli %get3A_7, %mul3A_957 : vector<128x128xi32>
    %mul3A_959 = arith.constant 8 : i32
    %mul3A_960 = vector.broadcast %mul3A_959 : i32 to vector<128x128xi32>
    %mul3A_961 = arith.muli %get3A_7, %mul3A_960 : vector<128x128xi32>
    %and3A_962 = arith.constant 65535 : i32
    %and3A_963 = vector.broadcast %and3A_962 : i32 to vector<128x128xi32>
    %and3A_964 = arith.andi %mul3A_961, %and3A_963 : vector<128x128xi32>
    %shift_left3A_965 = arith.constant 16 : i32
    %shift_left3A_966 = vector.broadcast %shift_left3A_965 : i32 to vector<128x128xi32>
    %shift_left3A_967 = arith.shli %and3A_964, %shift_left3A_966 : vector<128x128xi32>
    %add3A_968 = arith.addi %shift_left3A_967, %mul3A_958 : vector<128x128xi32>
    %and3A_969 = arith.andi %shift_left3A_967, %mul3A_958 : vector<128x128xi32>
    %or3A_970 = arith.ori %shift_left3A_967, %mul3A_958 : vector<128x128xi32>
    %not3A_971 = arith.constant dense<-1> : vector<128x128xi32>
    %not3A_972 = arith.xori %add3A_968, %not3A_971 : vector<128x128xi32>
    %and3A_973 = arith.andi %or3A_970, %not3A_972 : vector<128x128xi32>
    %or3A_974 = arith.ori %and3A_969, %and3A_973 : vector<128x128xi32>
    %shift_right_logical3A_975 = arith.constant 31 : i32
    %shift_right_logical3A_976 = vector.broadcast %shift_right_logical3A_975 : i32 to vector<128x128xi32>
    %shift_right_logical3A_977 = arith.shrui %or3A_974, %shift_right_logical3A_976 : vector<128x128xi32>
    %shift_right_logical3A_978 = arith.constant 16 : i32
    %shift_right_logical3A_979 = vector.broadcast %shift_right_logical3A_978 : i32 to vector<128x128xi32>
    %shift_right_logical3A_980 = arith.shrui %mul3A_961, %shift_right_logical3A_979 : vector<128x128xi32>
    %add3A_981 = arith.addi %shift_right_logical3A_980, %shift_right_logical3A_977 : vector<128x128xi32>
    %mul3A_982 = arith.constant 16027 : i32
    %mul3A_983 = vector.broadcast %mul3A_982 : i32 to vector<128x128xi32>
    %mul3A_984 = arith.muli %get3A_4, %mul3A_983 : vector<128x128xi32>
    %mul3A_985 = arith.constant 15 : i32
    %mul3A_986 = vector.broadcast %mul3A_985 : i32 to vector<128x128xi32>
    %mul3A_987 = arith.muli %get3A_4, %mul3A_986 : vector<128x128xi32>
    %and3A_988 = arith.constant 65535 : i32
    %and3A_989 = vector.broadcast %and3A_988 : i32 to vector<128x128xi32>
    %and3A_990 = arith.andi %mul3A_987, %and3A_989 : vector<128x128xi32>
    %shift_left3A_991 = arith.constant 16 : i32
    %shift_left3A_992 = vector.broadcast %shift_left3A_991 : i32 to vector<128x128xi32>
    %shift_left3A_993 = arith.shli %and3A_990, %shift_left3A_992 : vector<128x128xi32>
    %add3A_994 = arith.addi %shift_left3A_993, %mul3A_984 : vector<128x128xi32>
    %and3A_995 = arith.andi %shift_left3A_993, %mul3A_984 : vector<128x128xi32>
    %or3A_996 = arith.ori %shift_left3A_993, %mul3A_984 : vector<128x128xi32>
    %not3A_997 = arith.constant dense<-1> : vector<128x128xi32>
    %not3A_998 = arith.xori %add3A_994, %not3A_997 : vector<128x128xi32>
    %and3A_999 = arith.andi %or3A_996, %not3A_998 : vector<128x128xi32>
    %or3A_1000 = arith.ori %and3A_995, %and3A_999 : vector<128x128xi32>
    %shift_right_logical3A_1001 = arith.constant 31 : i32
    %shift_right_logical3A_1002 = vector.broadcast %shift_right_logical3A_1001 : i32 to vector<128x128xi32>
    %shift_right_logical3A_1003 = arith.shrui %or3A_1000, %shift_right_logical3A_1002 : vector<128x128xi32>
    %shift_right_logical3A_1004 = arith.constant 16 : i32
    %shift_right_logical3A_1005 = vector.broadcast %shift_right_logical3A_1004 : i32 to vector<128x128xi32>
    %shift_right_logical3A_1006 = arith.shrui %mul3A_987, %shift_right_logical3A_1005 : vector<128x128xi32>
    %add3A_1007 = arith.addi %shift_right_logical3A_1006, %shift_right_logical3A_1003 : vector<128x128xi32>
    %xor3A_1008 = arith.xori %add3A_981, %add3A_1007 : vector<128x128xi32>
    %xor3A_1009 = arith.xori %add3A_968, %add3A_994 : vector<128x128xi32>
    %mul3A_1010 = arith.constant 16039 : i32
    %mul3A_1011 = vector.broadcast %mul3A_1010 : i32 to vector<128x128xi32>
    %mul3A_1012 = arith.muli %get3A_1, %mul3A_1011 : vector<128x128xi32>
    %mul3A_1013 = arith.constant 22 : i32
    %mul3A_1014 = vector.broadcast %mul3A_1013 : i32 to vector<128x128xi32>
    %mul3A_1015 = arith.muli %get3A_1, %mul3A_1014 : vector<128x128xi32>
    %and3A_1016 = arith.constant 65535 : i32
    %and3A_1017 = vector.broadcast %and3A_1016 : i32 to vector<128x128xi32>
    %and3A_1018 = arith.andi %mul3A_1015, %and3A_1017 : vector<128x128xi32>
    %shift_left3A_1019 = arith.constant 16 : i32
    %shift_left3A_1020 = vector.broadcast %shift_left3A_1019 : i32 to vector<128x128xi32>
    %shift_left3A_1021 = arith.shli %and3A_1018, %shift_left3A_1020 : vector<128x128xi32>
    %add3A_1022 = arith.addi %shift_left3A_1021, %mul3A_1012 : vector<128x128xi32>
    %and3A_1023 = arith.andi %shift_left3A_1021, %mul3A_1012 : vector<128x128xi32>
    %or3A_1024 = arith.ori %shift_left3A_1021, %mul3A_1012 : vector<128x128xi32>
    %not3A_1025 = arith.constant dense<-1> : vector<128x128xi32>
    %not3A_1026 = arith.xori %add3A_1022, %not3A_1025 : vector<128x128xi32>
    %and3A_1027 = arith.andi %or3A_1024, %not3A_1026 : vector<128x128xi32>
    %or3A_1028 = arith.ori %and3A_1023, %and3A_1027 : vector<128x128xi32>
    %shift_right_logical3A_1029 = arith.constant 31 : i32
    %shift_right_logical3A_1030 = vector.broadcast %shift_right_logical3A_1029 : i32 to vector<128x128xi32>
    %shift_right_logical3A_1031 = arith.shrui %or3A_1028, %shift_right_logical3A_1030 : vector<128x128xi32>
    %shift_right_logical3A_1032 = arith.constant 16 : i32
    %shift_right_logical3A_1033 = vector.broadcast %shift_right_logical3A_1032 : i32 to vector<128x128xi32>
    %shift_right_logical3A_1034 = arith.shrui %mul3A_1015, %shift_right_logical3A_1033 : vector<128x128xi32>
    %add3A_1035 = arith.addi %shift_right_logical3A_1034, %shift_right_logical3A_1031 : vector<128x128xi32>
    %xor3A_1036 = arith.xori %xor3A_1008, %add3A_1035 : vector<128x128xi32>
    %xor3A_1037 = arith.xori %xor3A_1009, %add3A_1022 : vector<128x128xi32>
    %add3A_1038 = arith.constant 1967960981 : i32
    %add3A_1039 = vector.broadcast %add3A_1038 : i32 to vector<128x128xi32>
    %add3A_1040 = arith.addi %xor3A_1037, %add3A_1039 : vector<128x128xi32>
    %and3A_1041 = arith.constant 1967960981 : i32
    %and3A_1042 = vector.broadcast %and3A_1041 : i32 to vector<128x128xi32>
    %and3A_1043 = arith.andi %xor3A_1037, %and3A_1042 : vector<128x128xi32>
    %or3A_1044 = arith.constant 1967960981 : i32
    %or3A_1045 = vector.broadcast %or3A_1044 : i32 to vector<128x128xi32>
    %or3A_1046 = arith.ori %xor3A_1037, %or3A_1045 : vector<128x128xi32>
    %not3A_1047 = arith.constant dense<-1> : vector<128x128xi32>
    %not3A_1048 = arith.xori %add3A_1040, %not3A_1047 : vector<128x128xi32>
    %and3A_1049 = arith.andi %or3A_1046, %not3A_1048 : vector<128x128xi32>
    %or3A_1050 = arith.ori %and3A_1043, %and3A_1049 : vector<128x128xi32>
    %shift_right_logical3A_1051 = arith.constant 31 : i32
    %shift_right_logical3A_1052 = vector.broadcast %shift_right_logical3A_1051 : i32 to vector<128x128xi32>
    %shift_right_logical3A_1053 = arith.shrui %or3A_1050, %shift_right_logical3A_1052 : vector<128x128xi32>
    %add3A_1054 = arith.addi %xor3A_1036, %shift_right_logical3A_1053 : vector<128x128xi32>
    %shift_right_logical3A_1055 = arith.constant 31 : i32
    %shift_right_logical3A_1056 = vector.broadcast %shift_right_logical3A_1055 : i32 to vector<128x128xi32>
    %shift_right_logical3A_1057 = arith.shrui %add3A_1040, %shift_right_logical3A_1056 : vector<128x128xi32>
    %and3A_1058 = arith.constant 2147483647 : i32
    %and3A_1059 = vector.broadcast %and3A_1058 : i32 to vector<128x128xi32>
    %and3A_1060 = arith.andi %add3A_1040, %and3A_1059 : vector<128x128xi32>
    %jit3A_1061 = arith.constant 99999 : i32
    %eq3A_1062 = arith.constant 0 : i32
    %eq3A_1063 = arith.cmpi eq, %jit3A_1061, %eq3A_1062 : i32
    %jit3A_1064 = arith.constant 1 : i32
    %select_n3A_1065 = arith.select %eq3A_1063, %jit3A_1064, %jit3A_1061 : i32
    %rem3A_1066 = vector.broadcast %select_n3A_1065 : i32 to vector<128x128xi32>
    %rem3A_1067 = arith.remsi %and3A_1060, %rem3A_1066 : vector<128x128xi32>
    %ne3A_1068 = arith.constant 0 : i32
    %ne3A_1069 = vector.broadcast %ne3A_1068 : i32 to vector<128x128xi32>
    %ne3A_1070 = arith.cmpi ne, %rem3A_1067, %ne3A_1069 : vector<128x128xi32>
    %lt3A_1071 = arith.constant 0 : i32
    %lt3A_1072 = vector.broadcast %lt3A_1071 : i32 to vector<128x128xi32>
    %lt3A_1073 = arith.cmpi slt, %rem3A_1067, %lt3A_1072 : vector<128x128xi32>
    %lt3A_1074 = arith.constant 0 : i32
    %lt3A_1075 = arith.cmpi slt, %select_n3A_1065, %lt3A_1074 : i32
    %ne3A_1076 = vector.broadcast %lt3A_1075 : i1 to vector<128x128xi1>
    %ne3A_1077 = vector.broadcast %ne3A_1076 : vector<128x128xi1> to vector<128x128xi1>
    %ne3A_1078 = arith.xori %lt3A_1073, %ne3A_1077 : vector<128x128xi1>
    %and3A_1079 = arith.andi %ne3A_1078, %ne3A_1070 : vector<128x128xi1>
    %add3A_1080 = vector.broadcast %select_n3A_1065 : i32 to vector<128x128xi32>
    %add3A_1081 = arith.addi %rem3A_1067, %add3A_1080 : vector<128x128xi32>
    %select_n3A_1082 = arith.select %and3A_1079, %add3A_1081, %rem3A_1067 : vector<128x128xi1>, vector<128x128xi32>
    %mul3A_1083 = arith.constant 5123 : i32
    %mul3A_1084 = vector.broadcast %mul3A_1083 : i32 to vector<128x128xi32>
    %mul3A_1085 = arith.muli %shift_right_logical3A_1057, %mul3A_1084 : vector<128x128xi32>
    %add3A_1086 = arith.addi %select_n3A_1082, %mul3A_1085 : vector<128x128xi32>
    %mul3A_1087 = arith.constant 10246 : i32
    %mul3A_1088 = vector.broadcast %mul3A_1087 : i32 to vector<128x128xi32>
    %mul3A_1089 = arith.muli %add3A_1054, %mul3A_1088 : vector<128x128xi32>
    %add3A_1090 = arith.addi %mul3A_1089, %add3A_1086 : vector<128x128xi32>
    %jit3A_1091 = arith.constant 99999 : i32
    %eq3A_1092 = arith.constant 0 : i32
    %eq3A_1093 = arith.cmpi eq, %jit3A_1091, %eq3A_1092 : i32
    %jit3A_1094 = arith.constant 1 : i32
    %select_n3A_1095 = arith.select %eq3A_1093, %jit3A_1094, %jit3A_1091 : i32
    %rem3A_1096 = vector.broadcast %select_n3A_1095 : i32 to vector<128x128xi32>
    %rem3A_1097 = arith.remsi %add3A_1090, %rem3A_1096 : vector<128x128xi32>
    %ne3A_1098 = arith.constant 0 : i32
    %ne3A_1099 = vector.broadcast %ne3A_1098 : i32 to vector<128x128xi32>
    %ne3A_1100 = arith.cmpi ne, %rem3A_1097, %ne3A_1099 : vector<128x128xi32>
    %lt3A_1101 = arith.constant 0 : i32
    %lt3A_1102 = vector.broadcast %lt3A_1101 : i32 to vector<128x128xi32>
    %lt3A_1103 = arith.cmpi slt, %rem3A_1097, %lt3A_1102 : vector<128x128xi32>
    %lt3A_1104 = arith.constant 0 : i32
    %lt3A_1105 = arith.cmpi slt, %select_n3A_1095, %lt3A_1104 : i32
    %ne3A_1106 = vector.broadcast %lt3A_1105 : i1 to vector<128x128xi1>
    %ne3A_1107 = vector.broadcast %ne3A_1106 : vector<128x128xi1> to vector<128x128xi1>
    %ne3A_1108 = arith.xori %lt3A_1103, %ne3A_1107 : vector<128x128xi1>
    %and3A_1109 = arith.andi %ne3A_1108, %ne3A_1100 : vector<128x128xi1>
    %add3A_1110 = vector.broadcast %select_n3A_1095 : i32 to vector<128x128xi32>
    %add3A_1111 = arith.addi %rem3A_1097, %add3A_1110 : vector<128x128xi32>
    %select_n3A_1112 = arith.select %and3A_1109, %add3A_1111, %rem3A_1097 : vector<128x128xi1>, vector<128x128xi32>
    %add3A_1113 = arith.constant 1 : i32
    %add3A_1114 = vector.broadcast %add3A_1113 : i32 to vector<128x128xi32>
    %add3A_1115 = arith.addi %select_n3A_1112, %add3A_1114 : vector<128x128xi32>
    %ge3A_1116 = arith.constant 2 : i32
    %ge3A_1117 = vector.broadcast %ge3A_1116 : i32 to vector<128x128xi32>
    %ge3A_1118 = arith.cmpi sge, %add3A_25, %ge3A_1117 : vector<128x128xi32>
    %jit3A_1119 = arith.constant 0 : i32
    %broadcast_in_dim3A_1120 = vector.broadcast %jit3A_1119 : i32 to vector<128x128xi32>
    %select_n3A_1121 = arith.select %ge3A_1118, %add3A_1115, %broadcast_in_dim3A_1120 : vector<128x128xi1>, vector<128x128xi32>
    %add3A_1122 = arith.constant 600000 : i32
    %add3A_1123 = vector.broadcast %add3A_1122 : i32 to vector<128x128xi32>
    %add3A_1124 = arith.addi %select_n3A_1121, %add3A_1123 : vector<128x128xi32>
    %swap3A_1125 = arith.constant 6 : index
    %swap3A_1126 = arith.constant 0 : index
    %swap3A_1127 = arith.constant 0 : index
    %swap3A_1128 = vector.load %arg3[%swap3A_1125, %swap3A_1126, %swap3A_1127] : memref<8x128x128xi32, #tpu.memory_space<vmem>>, vector<1x128x128xi32>
    %swap3A_1129 = vector.shape_cast %swap3A_1128 : vector<1x128x128xi32> to vector<128x128xi32>
    %swap3A_1130 = vector.shape_cast %add3A_1124 : vector<128x128xi32> to vector<1x128x128xi32>
    tpu.vector_store %arg3[%swap3A_1125, %swap3A_1126, %swap3A_1127], %swap3A_1130 {strides = array<i32>} : memref<8x128x128xi32, #tpu.memory_space<vmem>>, vector<1x128x128xi32>,
    %mul3A_1131 = arith.constant 32399 : i32
    %mul3A_1132 = vector.broadcast %mul3A_1131 : i32 to vector<128x128xi32>
    %mul3A_1133 = arith.muli %get3A_7, %mul3A_1132 : vector<128x128xi32>
    %mul3A_1134 = arith.constant 10 : i32
    %mul3A_1135 = vector.broadcast %mul3A_1134 : i32 to vector<128x128xi32>
    %mul3A_1136 = arith.muli %get3A_7, %mul3A_1135 : vector<128x128xi32>
    %and3A_1137 = arith.constant 65535 : i32
    %and3A_1138 = vector.broadcast %and3A_1137 : i32 to vector<128x128xi32>
    %and3A_1139 = arith.andi %mul3A_1136, %and3A_1138 : vector<128x128xi32>
    %shift_left3A_1140 = arith.constant 16 : i32
    %shift_left3A_1141 = vector.broadcast %shift_left3A_1140 : i32 to vector<128x128xi32>
    %shift_left3A_1142 = arith.shli %and3A_1139, %shift_left3A_1141 : vector<128x128xi32>
    %add3A_1143 = arith.addi %shift_left3A_1142, %mul3A_1133 : vector<128x128xi32>
    %and3A_1144 = arith.andi %shift_left3A_1142, %mul3A_1133 : vector<128x128xi32>
    %or3A_1145 = arith.ori %shift_left3A_1142, %mul3A_1133 : vector<128x128xi32>
    %not3A_1146 = arith.constant dense<-1> : vector<128x128xi32>
    %not3A_1147 = arith.xori %add3A_1143, %not3A_1146 : vector<128x128xi32>
    %and3A_1148 = arith.andi %or3A_1145, %not3A_1147 : vector<128x128xi32>
    %or3A_1149 = arith.ori %and3A_1144, %and3A_1148 : vector<128x128xi32>
    %shift_right_logical3A_1150 = arith.constant 31 : i32
    %shift_right_logical3A_1151 = vector.broadcast %shift_right_logical3A_1150 : i32 to vector<128x128xi32>
    %shift_right_logical3A_1152 = arith.shrui %or3A_1149, %shift_right_logical3A_1151 : vector<128x128xi32>
    %shift_right_logical3A_1153 = arith.constant 16 : i32
    %shift_right_logical3A_1154 = vector.broadcast %shift_right_logical3A_1153 : i32 to vector<128x128xi32>
    %shift_right_logical3A_1155 = arith.shrui %mul3A_1136, %shift_right_logical3A_1154 : vector<128x128xi32>
    %add3A_1156 = arith.addi %shift_right_logical3A_1155, %shift_right_logical3A_1152 : vector<128x128xi32>
    %mul3A_1157 = arith.constant 32413 : i32
    %mul3A_1158 = vector.broadcast %mul3A_1157 : i32 to vector<128x128xi32>
    %mul3A_1159 = arith.muli %get3A_4, %mul3A_1158 : vector<128x128xi32>
    %mul3A_1160 = arith.constant 19 : i32
    %mul3A_1161 = vector.broadcast %mul3A_1160 : i32 to vector<128x128xi32>
    %mul3A_1162 = arith.muli %get3A_4, %mul3A_1161 : vector<128x128xi32>
    %and3A_1163 = arith.constant 65535 : i32
    %and3A_1164 = vector.broadcast %and3A_1163 : i32 to vector<128x128xi32>
    %and3A_1165 = arith.andi %mul3A_1162, %and3A_1164 : vector<128x128xi32>
    %shift_left3A_1166 = arith.constant 16 : i32
    %shift_left3A_1167 = vector.broadcast %shift_left3A_1166 : i32 to vector<128x128xi32>
    %shift_left3A_1168 = arith.shli %and3A_1165, %shift_left3A_1167 : vector<128x128xi32>
    %add3A_1169 = arith.addi %shift_left3A_1168, %mul3A_1159 : vector<128x128xi32>
    %and3A_1170 = arith.andi %shift_left3A_1168, %mul3A_1159 : vector<128x128xi32>
    %or3A_1171 = arith.ori %shift_left3A_1168, %mul3A_1159 : vector<128x128xi32>
    %not3A_1172 = arith.constant dense<-1> : vector<128x128xi32>
    %not3A_1173 = arith.xori %add3A_1169, %not3A_1172 : vector<128x128xi32>
    %and3A_1174 = arith.andi %or3A_1171, %not3A_1173 : vector<128x128xi32>
    %or3A_1175 = arith.ori %and3A_1170, %and3A_1174 : vector<128x128xi32>
    %shift_right_logical3A_1176 = arith.constant 31 : i32
    %shift_right_logical3A_1177 = vector.broadcast %shift_right_logical3A_1176 : i32 to vector<128x128xi32>
    %shift_right_logical3A_1178 = arith.shrui %or3A_1175, %shift_right_logical3A_1177 : vector<128x128xi32>
    %shift_right_logical3A_1179 = arith.constant 16 : i32
    %shift_right_logical3A_1180 = vector.broadcast %shift_right_logical3A_1179 : i32 to vector<128x128xi32>
    %shift_right_logical3A_1181 = arith.shrui %mul3A_1162, %shift_right_logical3A_1180 : vector<128x128xi32>
    %add3A_1182 = arith.addi %shift_right_logical3A_1181, %shift_right_logical3A_1178 : vector<128x128xi32>
    %xor3A_1183 = arith.xori %add3A_1156, %add3A_1182 : vector<128x128xi32>
    %xor3A_1184 = arith.xori %add3A_1143, %add3A_1169 : vector<128x128xi32>
    %mul3A_1185 = arith.constant 32427 : i32
    %mul3A_1186 = vector.broadcast %mul3A_1185 : i32 to vector<128x128xi32>
    %mul3A_1187 = arith.muli %get3A_1, %mul3A_1186 : vector<128x128xi32>
    %mul3A_1188 = arith.constant 28 : i32
    %mul3A_1189 = vector.broadcast %mul3A_1188 : i32 to vector<128x128xi32>
    %mul3A_1190 = arith.muli %get3A_1, %mul3A_1189 : vector<128x128xi32>
    %and3A_1191 = arith.constant 65535 : i32
    %and3A_1192 = vector.broadcast %and3A_1191 : i32 to vector<128x128xi32>
    %and3A_1193 = arith.andi %mul3A_1190, %and3A_1192 : vector<128x128xi32>
    %shift_left3A_1194 = arith.constant 16 : i32
    %shift_left3A_1195 = vector.broadcast %shift_left3A_1194 : i32 to vector<128x128xi32>
    %shift_left3A_1196 = arith.shli %and3A_1193, %shift_left3A_1195 : vector<128x128xi32>
    %add3A_1197 = arith.addi %shift_left3A_1196, %mul3A_1187 : vector<128x128xi32>
    %and3A_1198 = arith.andi %shift_left3A_1196, %mul3A_1187 : vector<128x128xi32>
    %or3A_1199 = arith.ori %shift_left3A_1196, %mul3A_1187 : vector<128x128xi32>
    %not3A_1200 = arith.constant dense<-1> : vector<128x128xi32>
    %not3A_1201 = arith.xori %add3A_1197, %not3A_1200 : vector<128x128xi32>
    %and3A_1202 = arith.andi %or3A_1199, %not3A_1201 : vector<128x128xi32>
    %or3A_1203 = arith.ori %and3A_1198, %and3A_1202 : vector<128x128xi32>
    %shift_right_logical3A_1204 = arith.constant 31 : i32
    %shift_right_logical3A_1205 = vector.broadcast %shift_right_logical3A_1204 : i32 to vector<128x128xi32>
    %shift_right_logical3A_1206 = arith.shrui %or3A_1203, %shift_right_logical3A_1205 : vector<128x128xi32>
    %shift_right_logical3A_1207 = arith.constant 16 : i32
    %shift_right_logical3A_1208 = vector.broadcast %shift_right_logical3A_1207 : i32 to vector<128x128xi32>
    %shift_right_logical3A_1209 = arith.shrui %mul3A_1190, %shift_right_logical3A_1208 : vector<128x128xi32>
    %add3A_1210 = arith.addi %shift_right_logical3A_1209, %shift_right_logical3A_1206 : vector<128x128xi32>
    %xor3A_1211 = arith.xori %xor3A_1183, %add3A_1210 : vector<128x128xi32>
    %xor3A_1212 = arith.xori %xor3A_1184, %add3A_1197 : vector<128x128xi32>
    %add3A_1213 = arith.constant 215865192 : i32
    %add3A_1214 = vector.broadcast %add3A_1213 : i32 to vector<128x128xi32>
    %add3A_1215 = arith.addi %xor3A_1212, %add3A_1214 : vector<128x128xi32>
    %and3A_1216 = arith.constant 215865192 : i32
    %and3A_1217 = vector.broadcast %and3A_1216 : i32 to vector<128x128xi32>
    %and3A_1218 = arith.andi %xor3A_1212, %and3A_1217 : vector<128x128xi32>
    %or3A_1219 = arith.constant 215865192 : i32
    %or3A_1220 = vector.broadcast %or3A_1219 : i32 to vector<128x128xi32>
    %or3A_1221 = arith.ori %xor3A_1212, %or3A_1220 : vector<128x128xi32>
    %not3A_1222 = arith.constant dense<-1> : vector<128x128xi32>
    %not3A_1223 = arith.xori %add3A_1215, %not3A_1222 : vector<128x128xi32>
    %and3A_1224 = arith.andi %or3A_1221, %not3A_1223 : vector<128x128xi32>
    %or3A_1225 = arith.ori %and3A_1218, %and3A_1224 : vector<128x128xi32>
    %shift_right_logical3A_1226 = arith.constant 31 : i32
    %shift_right_logical3A_1227 = vector.broadcast %shift_right_logical3A_1226 : i32 to vector<128x128xi32>
    %shift_right_logical3A_1228 = arith.shrui %or3A_1225, %shift_right_logical3A_1227 : vector<128x128xi32>
    %add3A_1229 = arith.addi %xor3A_1211, %shift_right_logical3A_1228 : vector<128x128xi32>
    %shift_right_logical3A_1230 = arith.constant 31 : i32
    %shift_right_logical3A_1231 = vector.broadcast %shift_right_logical3A_1230 : i32 to vector<128x128xi32>
    %shift_right_logical3A_1232 = arith.shrui %add3A_1215, %shift_right_logical3A_1231 : vector<128x128xi32>
    %and3A_1233 = arith.constant 2147483647 : i32
    %and3A_1234 = vector.broadcast %and3A_1233 : i32 to vector<128x128xi32>
    %and3A_1235 = arith.andi %add3A_1215, %and3A_1234 : vector<128x128xi32>
    %jit3A_1236 = arith.constant 99999 : i32
    %eq3A_1237 = arith.constant 0 : i32
    %eq3A_1238 = arith.cmpi eq, %jit3A_1236, %eq3A_1237 : i32
    %jit3A_1239 = arith.constant 1 : i32
    %select_n3A_1240 = arith.select %eq3A_1238, %jit3A_1239, %jit3A_1236 : i32
    %rem3A_1241 = vector.broadcast %select_n3A_1240 : i32 to vector<128x128xi32>
    %rem3A_1242 = arith.remsi %and3A_1235, %rem3A_1241 : vector<128x128xi32>
    %ne3A_1243 = arith.constant 0 : i32
    %ne3A_1244 = vector.broadcast %ne3A_1243 : i32 to vector<128x128xi32>
    %ne3A_1245 = arith.cmpi ne, %rem3A_1242, %ne3A_1244 : vector<128x128xi32>
    %lt3A_1246 = arith.constant 0 : i32
    %lt3A_1247 = vector.broadcast %lt3A_1246 : i32 to vector<128x128xi32>
    %lt3A_1248 = arith.cmpi slt, %rem3A_1242, %lt3A_1247 : vector<128x128xi32>
    %lt3A_1249 = arith.constant 0 : i32
    %lt3A_1250 = arith.cmpi slt, %select_n3A_1240, %lt3A_1249 : i32
    %ne3A_1251 = vector.broadcast %lt3A_1250 : i1 to vector<128x128xi1>
    %ne3A_1252 = vector.broadcast %ne3A_1251 : vector<128x128xi1> to vector<128x128xi1>
    %ne3A_1253 = arith.xori %lt3A_1248, %ne3A_1252 : vector<128x128xi1>
    %and3A_1254 = arith.andi %ne3A_1253, %ne3A_1245 : vector<128x128xi1>
    %add3A_1255 = vector.broadcast %select_n3A_1240 : i32 to vector<128x128xi32>
    %add3A_1256 = arith.addi %rem3A_1242, %add3A_1255 : vector<128x128xi32>
    %select_n3A_1257 = arith.select %and3A_1254, %add3A_1256, %rem3A_1242 : vector<128x128xi1>, vector<128x128xi32>
    %mul3A_1258 = arith.constant 5123 : i32
    %mul3A_1259 = vector.broadcast %mul3A_1258 : i32 to vector<128x128xi32>
    %mul3A_1260 = arith.muli %shift_right_logical3A_1232, %mul3A_1259 : vector<128x128xi32>
    %add3A_1261 = arith.addi %select_n3A_1257, %mul3A_1260 : vector<128x128xi32>
    %mul3A_1262 = arith.constant 10246 : i32
    %mul3A_1263 = vector.broadcast %mul3A_1262 : i32 to vector<128x128xi32>
    %mul3A_1264 = arith.muli %add3A_1229, %mul3A_1263 : vector<128x128xi32>
    %add3A_1265 = arith.addi %mul3A_1264, %add3A_1261 : vector<128x128xi32>
    %jit3A_1266 = arith.constant 99999 : i32
    %eq3A_1267 = arith.constant 0 : i32
    %eq3A_1268 = arith.cmpi eq, %jit3A_1266, %eq3A_1267 : i32
    %jit3A_1269 = arith.constant 1 : i32
    %select_n3A_1270 = arith.select %eq3A_1268, %jit3A_1269, %jit3A_1266 : i32
    %rem3A_1271 = vector.broadcast %select_n3A_1270 : i32 to vector<128x128xi32>
    %rem3A_1272 = arith.remsi %add3A_1265, %rem3A_1271 : vector<128x128xi32>
    %ne3A_1273 = arith.constant 0 : i32
    %ne3A_1274 = vector.broadcast %ne3A_1273 : i32 to vector<128x128xi32>
    %ne3A_1275 = arith.cmpi ne, %rem3A_1272, %ne3A_1274 : vector<128x128xi32>
    %lt3A_1276 = arith.constant 0 : i32
    %lt3A_1277 = vector.broadcast %lt3A_1276 : i32 to vector<128x128xi32>
    %lt3A_1278 = arith.cmpi slt, %rem3A_1272, %lt3A_1277 : vector<128x128xi32>
    %lt3A_1279 = arith.constant 0 : i32
    %lt3A_1280 = arith.cmpi slt, %select_n3A_1270, %lt3A_1279 : i32
    %ne3A_1281 = vector.broadcast %lt3A_1280 : i1 to vector<128x128xi1>
    %ne3A_1282 = vector.broadcast %ne3A_1281 : vector<128x128xi1> to vector<128x128xi1>
    %ne3A_1283 = arith.xori %lt3A_1278, %ne3A_1282 : vector<128x128xi1>
    %and3A_1284 = arith.andi %ne3A_1283, %ne3A_1275 : vector<128x128xi1>
    %add3A_1285 = vector.broadcast %select_n3A_1270 : i32 to vector<128x128xi32>
    %add3A_1286 = arith.addi %rem3A_1272, %add3A_1285 : vector<128x128xi32>
    %select_n3A_1287 = arith.select %and3A_1284, %add3A_1286, %rem3A_1272 : vector<128x128xi1>, vector<128x128xi32>
    %add3A_1288 = arith.constant 1 : i32
    %add3A_1289 = vector.broadcast %add3A_1288 : i32 to vector<128x128xi32>
    %add3A_1290 = arith.addi %select_n3A_1287, %add3A_1289 : vector<128x128xi32>
    %ge3A_1291 = arith.constant 2 : i32
    %ge3A_1292 = vector.broadcast %ge3A_1291 : i32 to vector<128x128xi32>
    %ge3A_1293 = arith.cmpi sge, %add3A_25, %ge3A_1292 : vector<128x128xi32>
    %jit3A_1294 = arith.constant 0 : i32
    %broadcast_in_dim3A_1295 = vector.broadcast %jit3A_1294 : i32 to vector<128x128xi32>
    %select_n3A_1296 = arith.select %ge3A_1293, %add3A_1290, %broadcast_in_dim3A_1295 : vector<128x128xi1>, vector<128x128xi32>
    %add3A_1297 = arith.constant 700000 : i32
    %add3A_1298 = vector.broadcast %add3A_1297 : i32 to vector<128x128xi32>
    %add3A_1299 = arith.addi %select_n3A_1296, %add3A_1298 : vector<128x128xi32>
    %swap3A_1300 = arith.constant 7 : index
    %swap3A_1301 = arith.constant 0 : index
    %swap3A_1302 = arith.constant 0 : index
    %swap3A_1303 = vector.load %arg3[%swap3A_1300, %swap3A_1301, %swap3A_1302] : memref<8x128x128xi32, #tpu.memory_space<vmem>>, vector<1x128x128xi32>
    %swap3A_1304 = vector.shape_cast %swap3A_1303 : vector<1x128x128xi32> to vector<128x128xi32>
    %swap3A_1305 = vector.shape_cast %add3A_1299 : vector<128x128xi32> to vector<1x128x128xi32>
    tpu.vector_store %arg3[%swap3A_1300, %swap3A_1301, %swap3A_1302], %swap3A_1305 {strides = array<i32>} : memref<8x128x128xi32, #tpu.memory_space<vmem>>, vector<1x128x128xi32>,
    return
  }
}

module attributes {stable_mosaic.version = 14 : i64} {
  func.func @_dense_body(%arg0: i32, %arg1: i32, %arg2: memref<8x1x512x128xf32, #tpu.memory_space<vmem>>, %arg3: memref<1x512x1024xf32, #tpu.memory_space<vmem>>, %arg4: memref<1x512x1024xf32, #tpu.memory_space<vmem>>, %arg5: memref<1024x1024xbf16, #tpu.memory_space<vmem>>, %arg6: memref<1024x1024xbf16, #tpu.memory_space<vmem>>, %arg7: memref<1x1024xf32, #tpu.memory_space<vmem>>, %arg8: memref<1x1024xf32, #tpu.memory_space<vmem>>, %arg9: memref<3x1024xf32, #tpu.memory_space<vmem>>, %arg10: memref<1x1xf32, #tpu.memory_space<smem>>, %arg11: memref<1x512x1024xf32, #tpu.memory_space<vmem>>) attributes {dimension_semantics = [#tpu.dimension_semantics<parallel>, #tpu.dimension_semantics<arbitrary>], iteration_bounds = array<i64: 4, 8>, scalar_prefetch = 0 : i64, scratch_operands = 0 : i64, tpu.core_type = #tpu.core_type<tc>, window_params = [{transform_indices = @transform_0, window_bounds = array<i64: 8, 1, 512, 128>}, {transform_indices = @transform_1, window_bounds = array<i64: 1, 512, 1024>}, {transform_indices = @transform_2, window_bounds = array<i64: 1, 512, 1024>}, {pipeline_mode = #tpu.pipeline_mode<synchronous>, transform_indices = @transform_3, window_bounds = array<i64: 1024, 1024>}, {pipeline_mode = #tpu.pipeline_mode<synchronous>, transform_indices = @transform_4, window_bounds = array<i64: 1024, 1024>}, {pipeline_mode = #tpu.pipeline_mode<synchronous>, transform_indices = @transform_5, window_bounds = array<i64: 1, 1024>}, {pipeline_mode = #tpu.pipeline_mode<synchronous>, transform_indices = @transform_6, window_bounds = array<i64: 1, 1024>}, {pipeline_mode = #tpu.pipeline_mode<synchronous>, transform_indices = @transform_7, window_bounds = array<i64: 3, 1024>}, {transform_indices = @transform_8, window_bounds = array<i64: 1, 1>}, {transform_indices = @transform_9, window_bounds = array<i64: 1, 512, 1024>}]} {
    %get3A = arith.constant 0 : index
    %get3A_0 = arith.constant 0 : index
    %get3A_1 = arith.constant 0 : index
    %get3A_2 = vector.load %arg3[%get3A, %get3A_0, %get3A_1] : memref<1x512x1024xf32, #tpu.memory_space<vmem>>, vector<1x512x1024xf32>
    %get3A_3 = vector.shape_cast %get3A_2 : vector<1x512x1024xf32> to vector<512x1024xf32>
    %get3A_4 = arith.constant 0 : index
    %get3A_5 = arith.constant 0 : index
    %get3A_6 = arith.constant 0 : index
    %get3A_7 = vector.load %arg4[%get3A_4, %get3A_5, %get3A_6] : memref<1x512x1024xf32, #tpu.memory_space<vmem>>, vector<1x512x1024xf32>
    %get3A_8 = vector.shape_cast %get3A_7 : vector<1x512x1024xf32> to vector<512x1024xf32>
    %slice3A = vector.extract_strided_slice %get3A_8 {offsets = [511, 0], sizes = [1, 1024], strides = [1, 1]} : vector<512x1024xf32> to vector<1x1024xf32>
    %slice3A_9 = vector.extract_strided_slice %get3A_3 {offsets = [0, 0], sizes = [511, 1024], strides = [1, 1]} : vector<512x1024xf32> to vector<511x1024xf32>
    %concatenate3A = tpu.concatenate %slice3A, %slice3A_9 in 0 : vector<1x1024xf32>, vector<511x1024xf32> -> vector<512x1024xf32>
    %slice3A_10 = vector.extract_strided_slice %get3A_8 {offsets = [510, 0], sizes = [2, 1024], strides = [1, 1]} : vector<512x1024xf32> to vector<2x1024xf32>
    %slice3A_11 = vector.extract_strided_slice %get3A_3 {offsets = [0, 0], sizes = [510, 1024], strides = [1, 1]} : vector<512x1024xf32> to vector<510x1024xf32>
    %concatenate3A_12 = tpu.concatenate %slice3A_10, %slice3A_11 in 0 : vector<2x1024xf32>, vector<510x1024xf32> -> vector<512x1024xf32>
    %iota3A = tpu.iota {dimensions = array<i32: 0>} : vector<512x1xi32>
    %mul3A = arith.constant 512 : i32
    %mul3A_13 = arith.muli %arg1, %mul3A : i32
    %add3A = vector.broadcast %mul3A_13 : i32 to vector<512x1xi32>
    %add3A_14 = arith.addi %iota3A, %add3A : vector<512x1xi32>
    %ge3A = arith.constant 1 : i32
    %ge3A_15 = vector.broadcast %ge3A : i32 to vector<512x1xi32>
    %ge3A_16 = arith.cmpi sge, %add3A_14, %ge3A_15 : vector<512x1xi32>
    %jit3A = arith.constant 0.000000e+00 : f32
    %broadcast_in_dim3A = vector.shape_cast %ge3A_16 : vector<512x1xi1> to vector<512x1xi1>
    %broadcast_in_dim3A_17 = vector.broadcast %broadcast_in_dim3A : vector<512x1xi1> to vector<512x1024xi1>
    %broadcast_in_dim3A_18 = vector.broadcast %jit3A : f32 to vector<512x1024xf32>
    %select_n3A = arith.select %broadcast_in_dim3A_17, %concatenate3A, %broadcast_in_dim3A_18 : vector<512x1024xi1>, vector<512x1024xf32>
    %ge3A_19 = arith.constant 2 : i32
    %ge3A_20 = vector.broadcast %ge3A_19 : i32 to vector<512x1xi32>
    %ge3A_21 = arith.cmpi sge, %add3A_14, %ge3A_20 : vector<512x1xi32>
    %jit3A_22 = arith.constant 0.000000e+00 : f32
    %broadcast_in_dim3A_23 = vector.shape_cast %ge3A_21 : vector<512x1xi1> to vector<512x1xi1>
    %broadcast_in_dim3A_24 = vector.broadcast %broadcast_in_dim3A_23 : vector<512x1xi1> to vector<512x1024xi1>
    %broadcast_in_dim3A_25 = vector.broadcast %jit3A_22 : f32 to vector<512x1024xf32>
    %select_n3A_26 = arith.select %broadcast_in_dim3A_24, %concatenate3A_12, %broadcast_in_dim3A_25 : vector<512x1024xi1>, vector<512x1024xf32>
    %get3A_27 = arith.constant 0 : index
    %get3A_28 = arith.constant 0 : index
    %get3A_29 = vector.load %arg9[%get3A_27, %get3A_28] : memref<3x1024xf32, #tpu.memory_space<vmem>>, vector<3x1024xf32>
    %slice3A_30 = vector.extract_strided_slice %get3A_29 {offsets = [0, 0], sizes = [1, 1024], strides = [1, 1]} : vector<3x1024xf32> to vector<1x1024xf32>
    %squeeze3A = vector.shape_cast %slice3A_30 : vector<1x1024xf32> to vector<1024xf32>
    %broadcast_in_dim3A_31 = vector.shape_cast %squeeze3A : vector<1024xf32> to vector<1x1024xf32>
    %mul3A_32 = vector.broadcast %broadcast_in_dim3A_31 : vector<1x1024xf32> to vector<512x1024xf32>
    %mul3A_33 = arith.mulf %select_n3A_26, %mul3A_32 : vector<512x1024xf32>
    %slice3A_34 = vector.extract_strided_slice %get3A_29 {offsets = [1, 0], sizes = [1, 1024], strides = [1, 1]} : vector<3x1024xf32> to vector<1x1024xf32>
    %squeeze3A_35 = vector.shape_cast %slice3A_34 : vector<1x1024xf32> to vector<1024xf32>
    %broadcast_in_dim3A_36 = vector.shape_cast %squeeze3A_35 : vector<1024xf32> to vector<1x1024xf32>
    %mul3A_37 = vector.broadcast %broadcast_in_dim3A_36 : vector<1x1024xf32> to vector<512x1024xf32>
    %mul3A_38 = arith.mulf %select_n3A, %mul3A_37 : vector<512x1024xf32>
    %add3A_39 = arith.addf %mul3A_33, %mul3A_38 : vector<512x1024xf32>
    %slice3A_40 = vector.extract_strided_slice %get3A_29 {offsets = [2, 0], sizes = [1, 1024], strides = [1, 1]} : vector<3x1024xf32> to vector<1x1024xf32>
    %squeeze3A_41 = vector.shape_cast %slice3A_40 : vector<1x1024xf32> to vector<1024xf32>
    %broadcast_in_dim3A_42 = vector.shape_cast %squeeze3A_41 : vector<1024xf32> to vector<1x1024xf32>
    %mul3A_43 = vector.broadcast %broadcast_in_dim3A_42 : vector<1x1024xf32> to vector<512x1024xf32>
    %mul3A_44 = arith.mulf %get3A_3, %mul3A_43 : vector<512x1024xf32>
    %add3A_45 = arith.addf %add3A_39, %mul3A_44 : vector<512x1024xf32>
    %get3A_46 = arith.constant 0 : index
    %get3A_47 = arith.constant 0 : index
    %get3A_48 = arith.constant 0 : index
    %get3A_49 = arith.constant 0 : index
    %get3A_50 = vector.load %arg2[%get3A_46, %get3A_47, %get3A_48, %get3A_49] : memref<8x1x512x128xf32, #tpu.memory_space<vmem>>, vector<1x1x512x128xf32>
    %get3A_51 = vector.shape_cast %get3A_50 : vector<1x1x512x128xf32> to vector<512x128xf32>
    %get3A_52 = arith.constant 1 : index
    %get3A_53 = arith.constant 0 : index
    %get3A_54 = arith.constant 0 : index
    %get3A_55 = arith.constant 0 : index
    %get3A_56 = vector.load %arg2[%get3A_52, %get3A_53, %get3A_54, %get3A_55] : memref<8x1x512x128xf32, #tpu.memory_space<vmem>>, vector<1x1x512x128xf32>
    %get3A_57 = vector.shape_cast %get3A_56 : vector<1x1x512x128xf32> to vector<512x128xf32>
    %get3A_58 = arith.constant 2 : index
    %get3A_59 = arith.constant 0 : index
    %get3A_60 = arith.constant 0 : index
    %get3A_61 = arith.constant 0 : index
    %get3A_62 = vector.load %arg2[%get3A_58, %get3A_59, %get3A_60, %get3A_61] : memref<8x1x512x128xf32, #tpu.memory_space<vmem>>, vector<1x1x512x128xf32>
    %get3A_63 = vector.shape_cast %get3A_62 : vector<1x1x512x128xf32> to vector<512x128xf32>
    %get3A_64 = arith.constant 3 : index
    %get3A_65 = arith.constant 0 : index
    %get3A_66 = arith.constant 0 : index
    %get3A_67 = arith.constant 0 : index
    %get3A_68 = vector.load %arg2[%get3A_64, %get3A_65, %get3A_66, %get3A_67] : memref<8x1x512x128xf32, #tpu.memory_space<vmem>>, vector<1x1x512x128xf32>
    %get3A_69 = vector.shape_cast %get3A_68 : vector<1x1x512x128xf32> to vector<512x128xf32>
    %get3A_70 = arith.constant 4 : index
    %get3A_71 = arith.constant 0 : index
    %get3A_72 = arith.constant 0 : index
    %get3A_73 = arith.constant 0 : index
    %get3A_74 = vector.load %arg2[%get3A_70, %get3A_71, %get3A_72, %get3A_73] : memref<8x1x512x128xf32, #tpu.memory_space<vmem>>, vector<1x1x512x128xf32>
    %get3A_75 = vector.shape_cast %get3A_74 : vector<1x1x512x128xf32> to vector<512x128xf32>
    %get3A_76 = arith.constant 5 : index
    %get3A_77 = arith.constant 0 : index
    %get3A_78 = arith.constant 0 : index
    %get3A_79 = arith.constant 0 : index
    %get3A_80 = vector.load %arg2[%get3A_76, %get3A_77, %get3A_78, %get3A_79] : memref<8x1x512x128xf32, #tpu.memory_space<vmem>>, vector<1x1x512x128xf32>
    %get3A_81 = vector.shape_cast %get3A_80 : vector<1x1x512x128xf32> to vector<512x128xf32>
    %get3A_82 = arith.constant 6 : index
    %get3A_83 = arith.constant 0 : index
    %get3A_84 = arith.constant 0 : index
    %get3A_85 = arith.constant 0 : index
    %get3A_86 = vector.load %arg2[%get3A_82, %get3A_83, %get3A_84, %get3A_85] : memref<8x1x512x128xf32, #tpu.memory_space<vmem>>, vector<1x1x512x128xf32>
    %get3A_87 = vector.shape_cast %get3A_86 : vector<1x1x512x128xf32> to vector<512x128xf32>
    %get3A_88 = arith.constant 7 : index
    %get3A_89 = arith.constant 0 : index
    %get3A_90 = arith.constant 0 : index
    %get3A_91 = arith.constant 0 : index
    %get3A_92 = vector.load %arg2[%get3A_88, %get3A_89, %get3A_90, %get3A_91] : memref<8x1x512x128xf32, #tpu.memory_space<vmem>>, vector<1x1x512x128xf32>
    %get3A_93 = vector.shape_cast %get3A_92 : vector<1x1x512x128xf32> to vector<512x128xf32>
    %concatenate3A_94 = tpu.concatenate %get3A_51, %get3A_57, %get3A_63, %get3A_69, %get3A_75, %get3A_81, %get3A_87, %get3A_93 in 1 : vector<512x128xf32>, vector<512x128xf32>, vector<512x128xf32>, vector<512x128xf32>, vector<512x128xf32>, vector<512x128xf32>, vector<512x128xf32>, vector<512x128xf32> -> vector<512x1024xf32>
    %convert_element_type3A = arith.truncf %concatenate3A_94 : vector<512x1024xf32> to vector<512x1024xbf16>
    %get3A_95 = arith.constant 0 : index
    %get3A_96 = arith.constant 0 : index
    %get3A_97 = vector.load %arg5[%get3A_95, %get3A_96] : memref<1024x1024xbf16, #tpu.memory_space<vmem>>, vector<1024x1024xbf16>
    %dot_general3A = arith.constant dense<0.000000e+00> : vector<512x1024xf32>
    %dot_general3A_98 = tpu.matmul %convert_element_type3A, %get3A_97, %dot_general3A {dimension_numbers = #tpu.dot_dimension_numbers<[1], [0], [0], [1], [0, 0, 1, 1], [], []>, transpose_lhs_hint = false} : vector<512x1024xbf16>, vector<1024x1024xbf16>, vector<512x1024xf32> -> vector<512x1024xf32>
    %get3A_99 = arith.constant 0 : index
    %get3A_100 = arith.constant 0 : index
    %get3A_101 = vector.load %arg6[%get3A_99, %get3A_100] : memref<1024x1024xbf16, #tpu.memory_space<vmem>>, vector<1024x1024xbf16>
    %dot_general3A_102 = arith.constant dense<0.000000e+00> : vector<512x1024xf32>
    %dot_general3A_103 = tpu.matmul %convert_element_type3A, %get3A_101, %dot_general3A_102 {dimension_numbers = #tpu.dot_dimension_numbers<[1], [0], [0], [1], [0, 0, 1, 1], [], []>, transpose_lhs_hint = false} : vector<512x1024xbf16>, vector<1024x1024xbf16>, vector<512x1024xf32> -> vector<512x1024xf32>
    %mul3A_104 = arith.mulf %dot_general3A_98, %dot_general3A_98 : vector<512x1024xf32>
    %reduce_sum3A = arith.constant dense<0.000000e+00> : vector<512xf32>
    %reduce_sum3A_105 = vector.multi_reduction <add>, %mul3A_104, %reduce_sum3A [1] : vector<512x1024xf32> to vector<512xf32>
    %broadcast_in_dim3A_106 = vector.shape_cast %reduce_sum3A_105 : vector<512xf32> to vector<512x1xf32>
    %div3A = arith.constant 1.024000e+03 : f32
    %div3A_107 = vector.broadcast %div3A : f32 to vector<512x1xf32>
    %div3A_108 = arith.divf %broadcast_in_dim3A_106, %div3A_107 : vector<512x1xf32>
    %get3A_109 = arith.constant 0 : index
    %get3A_110 = arith.constant 0 : index
    %get3A_111 = vector.load %arg7[%get3A_109, %get3A_110] : memref<1x1024xf32, #tpu.memory_space<vmem>>, vector<1x1024xf32>
    %add3A_112 = arith.constant 9.99999997E-7 : f32
    %add3A_113 = vector.broadcast %add3A_112 : f32 to vector<512x1xf32>
    %add3A_114 = arith.addf %div3A_108, %add3A_113 : vector<512x1xf32>
    %rsqrt3A = math.rsqrt %add3A_114 : vector<512x1xf32>
    %mul3A_115 = vector.broadcast %rsqrt3A : vector<512x1xf32> to vector<512x1024xf32>
    %mul3A_116 = arith.mulf %dot_general3A_98, %mul3A_115 : vector<512x1024xf32>
    %mul3A_117 = vector.broadcast %get3A_111 : vector<1x1024xf32> to vector<512x1024xf32>
    %mul3A_118 = arith.mulf %mul3A_117, %mul3A_116 : vector<512x1024xf32>
    %mul3A_119 = arith.mulf %dot_general3A_103, %dot_general3A_103 : vector<512x1024xf32>
    %reduce_sum3A_120 = arith.constant dense<0.000000e+00> : vector<512xf32>
    %reduce_sum3A_121 = vector.multi_reduction <add>, %mul3A_119, %reduce_sum3A_120 [1] : vector<512x1024xf32> to vector<512xf32>
    %broadcast_in_dim3A_122 = vector.shape_cast %reduce_sum3A_121 : vector<512xf32> to vector<512x1xf32>
    %div3A_123 = arith.constant 1.024000e+03 : f32
    %div3A_124 = vector.broadcast %div3A_123 : f32 to vector<512x1xf32>
    %div3A_125 = arith.divf %broadcast_in_dim3A_122, %div3A_124 : vector<512x1xf32>
    %get3A_126 = arith.constant 0 : index
    %get3A_127 = arith.constant 0 : index
    %get3A_128 = vector.load %arg8[%get3A_126, %get3A_127] : memref<1x1024xf32, #tpu.memory_space<vmem>>, vector<1x1024xf32>
    %add3A_129 = arith.constant 9.99999997E-7 : f32
    %add3A_130 = vector.broadcast %add3A_129 : f32 to vector<512x1xf32>
    %add3A_131 = arith.addf %div3A_125, %add3A_130 : vector<512x1xf32>
    %rsqrt3A_132 = math.rsqrt %add3A_131 : vector<512x1xf32>
    %mul3A_133 = vector.broadcast %rsqrt3A_132 : vector<512x1xf32> to vector<512x1024xf32>
    %mul3A_134 = arith.mulf %dot_general3A_103, %mul3A_133 : vector<512x1024xf32>
    %mul3A_135 = vector.broadcast %get3A_128 : vector<1x1024xf32> to vector<512x1024xf32>
    %mul3A_136 = arith.mulf %mul3A_135, %mul3A_134 : vector<512x1024xf32>
    %mul3A_137 = arith.mulf %add3A_45, %mul3A_118 : vector<512x1024xf32>
    %reduce_sum3A_138 = arith.constant dense<0.000000e+00> : vector<512xf32>
    %reduce_sum3A_139 = vector.multi_reduction <add>, %mul3A_137, %reduce_sum3A_138 [1] : vector<512x1024xf32> to vector<512xf32>
    %broadcast_in_dim3A_140 = vector.shape_cast %reduce_sum3A_139 : vector<512xf32> to vector<512x1xf32>
    %mul3A_141 = arith.constant 3.125000e-02 : f32
    %mul3A_142 = vector.broadcast %mul3A_141 : f32 to vector<512x1xf32>
    %mul3A_143 = arith.mulf %broadcast_in_dim3A_140, %mul3A_142 : vector<512x1xf32>
    %get3A_144 = arith.constant 0 : index
    %get3A_145 = arith.constant 0 : index
    %get3A_146 = memref.load %arg10[%get3A_144, %get3A_145] : memref<1x1xf32, #tpu.memory_space<smem>>
    %add3A_147 = vector.broadcast %get3A_146 : f32 to vector<512x1xf32>
    %add3A_148 = arith.addf %mul3A_143, %add3A_147 : vector<512x1xf32>
    %logistic3A = arith.negf %add3A_148 : vector<512x1xf32>
    %logistic3A_149 = math.exp %logistic3A : vector<512x1xf32>
    %logistic3A_150 = arith.constant 1.000000e+00 : f32
    %logistic3A_151 = vector.broadcast %logistic3A_150 : f32 to vector<512x1xf32>
    %logistic3A_152 = arith.addf %logistic3A_151, %logistic3A_149 : vector<512x1xf32>
    %logistic3A_153 = arith.divf %logistic3A_151, %logistic3A_152 : vector<512x1xf32>
    %mul3A_154 = vector.broadcast %logistic3A_153 : vector<512x1xf32> to vector<512x1024xf32>
    %mul3A_155 = arith.mulf %mul3A_154, %mul3A_136 : vector<512x1024xf32>
    %swap3A = arith.constant 0 : index
    %swap3A_156 = arith.constant 0 : index
    %swap3A_157 = arith.constant 0 : index
    %swap3A_158 = vector.load %arg11[%swap3A, %swap3A_156, %swap3A_157] : memref<1x512x1024xf32, #tpu.memory_space<vmem>>, vector<1x512x1024xf32>
    %swap3A_159 = vector.shape_cast %swap3A_158 : vector<1x512x1024xf32> to vector<512x1024xf32>
    %swap3A_160 = vector.shape_cast %mul3A_155 : vector<512x1024xf32> to vector<1x512x1024xf32>
    tpu.vector_store %arg11[%swap3A, %swap3A_156, %swap3A_157], %swap3A_160 {strides = array<i32>} : memref<1x512x1024xf32, #tpu.memory_space<vmem>>, vector<1x512x1024xf32>,
    return
  }
  func.func @transform_0(%arg0: i32, %arg1: i32) -> (i32, i32, i32, i32) {
    %c0_i32 = arith.constant 0 : i32
    %c0_i32_0 = arith.constant 0 : i32
    %c0_i32_1 = arith.constant 0 : i32
    return %c0_i32, %arg0, %arg1, %c0_i32_0 : i32, i32, i32, i32
  }
  func.func @transform_1(%arg0: i32, %arg1: i32) -> (i32, i32, i32) {
    %c0_i32 = arith.constant 0 : i32
    %c0_i32_0 = arith.constant 0 : i32
    return %arg0, %arg1, %c0_i32 : i32, i32, i32
  }
  func.func @transform_2(%arg0: i32, %arg1: i32) -> (i32, i32, i32) {
    %sub3A = arith.constant 1 : i32
    %sub3A_0 = arith.subi %arg1, %sub3A : i32
    %max3A = arith.constant 0 : i32
    %max3A_1 = arith.maxsi %sub3A_0, %max3A : i32
    %c0_i32 = arith.constant 0 : i32
    %c0_i32_2 = arith.constant 0 : i32
    return %arg0, %max3A_1, %c0_i32 : i32, i32, i32
  }
  func.func @transform_3(%arg0: i32, %arg1: i32) -> (i32, i32) {
    %c0_i32 = arith.constant 0 : i32
    %c0_i32_0 = arith.constant 0 : i32
    %c0_i32_1 = arith.constant 0 : i32
    return %c0_i32, %c0_i32_0 : i32, i32
  }
  func.func @transform_4(%arg0: i32, %arg1: i32) -> (i32, i32) {
    %c0_i32 = arith.constant 0 : i32
    %c0_i32_0 = arith.constant 0 : i32
    %c0_i32_1 = arith.constant 0 : i32
    return %c0_i32, %c0_i32_0 : i32, i32
  }
  func.func @transform_5(%arg0: i32, %arg1: i32) -> (i32, i32) {
    %c0_i32 = arith.constant 0 : i32
    %c0_i32_0 = arith.constant 0 : i32
    %c0_i32_1 = arith.constant 0 : i32
    return %c0_i32, %c0_i32_0 : i32, i32
  }
  func.func @transform_6(%arg0: i32, %arg1: i32) -> (i32, i32) {
    %c0_i32 = arith.constant 0 : i32
    %c0_i32_0 = arith.constant 0 : i32
    %c0_i32_1 = arith.constant 0 : i32
    return %c0_i32, %c0_i32_0 : i32, i32
  }
  func.func @transform_7(%arg0: i32, %arg1: i32) -> (i32, i32) {
    %c0_i32 = arith.constant 0 : i32
    %c0_i32_0 = arith.constant 0 : i32
    %c0_i32_1 = arith.constant 0 : i32
    return %c0_i32, %c0_i32_0 : i32, i32
  }
  func.func @transform_8(%arg0: i32, %arg1: i32) -> (i32, i32) {
    %c0_i32 = arith.constant 0 : i32
    %c0_i32_0 = arith.constant 0 : i32
    %c0_i32_1 = arith.constant 0 : i32
    return %c0_i32, %c0_i32_0 : i32, i32
  }
  func.func @transform_9(%arg0: i32, %arg1: i32) -> (i32, i32, i32) {
    %c0_i32 = arith.constant 0 : i32
    %c0_i32_0 = arith.constant 0 : i32
    return %arg0, %arg1, %c0_i32 : i32, i32, i32
  }
}

</mosaic_0001>

<sc_bundles>
// kernel: kernel.5.cloned.1.call-start
scs
__scs_entry_jumppad:
0x0: {  	(pc) =	sbr.rel $0x88, $3  }
0x1: {  	(tag) =	ssettag $0x0;
	lr =	simm.s32 $0x1  }
0x2: {  	[smem:$0x3F98] =	sst lr;
	_ =	strace $0xD0000000  }
0x3: {  	_ = 	snop  }
0x4: {  	_ = 	snop  }
0x5: {  	_ = 	snop  }
0x6: {  	_ = 	snop  }
0x7: {  	_ = 	snop  }
__scs_overlays_trampoline_lowered:
0x8: {  	[smem:$0x3FA7] =	sst s0  }
0x9: {  	[smem:$0x3FA8] =	sst s1  }
0xa: {  	[smem:$0x3FA9] =	sst s2  }
0xb: {  	[smem:$0x3FAA] =	sst s3  }
0xc: {  	[smem:$0x3FAB] =	sst s4  }
0xd: {  	[smem:$0x3FAC] =	sst s5  }
0xe: {  	[smem:$0x3FAD] =	sst s6  }
0xf: {  	[smem:$0x3FAE] =	sst s7  }
0x10: {  	[smem:$0x3FAF] =	sst s8  }
0x11: {  	[smem:$0x3FB0] =	sst s9;
	s0 =	simm.s32 @!p0 $0x0  }
0x12: {  	s1 =	sld [smem:$0x3F96];
	s0 =	simm.s32 @p0 $0x1  }
0x13: {  	[smem:$0x3FB1] =	sst s0;
	s0 =	simm.s32 @!p1 $0x0  }
0x14: {  	s2 =	sld [smem:$0x3F95];
	s0 =	simm.s32 @p1 $0x1  }
0x15: {  	[smem:$0x3FB2] =	sst s0;
	s0 =	simm.s32 @!p2 $0x0  }
0x16: {  	s3 =	sld [smem:$0x3FDB];
	s0 =	simm.s32 @p2 $0x1  }
0x17: {  	s4 =	simm.s32 $0x1BF5;
	[smem:$0x3FB4] =	sst s0  }
0x18: {  	s0 =	sld [smem:$0x3F97];
	_ =	swait.ge [sflag:s4], $0x0  }
0x19: {  	s7 =	sld [smem:$0x3F98]  }
0x1a: {  	s8 =	sadd.s32 $0xFFFFE003, lr  }
0x1b: {  	s9 =	sadd.s32 $0xFFFFFEF7, lr;
	s5 =	simm.s32 $0xFFFFFFFF;
	p2 =	slt.u32 s8, $0xFFFFF086  }
0x1c: {  	p1 =	slt.u32 s9, $0xF7A;
	s5 =	simm.s32 @!p2 $0x0  }
0x1d: {  	s5 =	simm.s32 @p1 $0x1;
	p0 =	seq.s32 s7, s2  }
0x1e: {  	s7 =	smul.u32 @!p0 $0xF7A, s2;
	p2 =	seq.s32 @!p0 s5, $0x0  }
0x1f: {  	s9 =	smul.u32 $0xF7A, s1;
	s8 =	simm.s32 @!p0 $0x1BF5;
	p2 =	por !p2, p0  }
0x20: {  	[sflag:s8] =	ssyncset.s32 @!p0 $0xFFFFF086;
	s6 =	sadd.s32 @!p0 s3, s7;
	s7 =	simm.s32 @!p0 $0x108  }
0x21: {  	s3 =	sadd.s32 s3, s9;
	s6 =	sadd.s32 @!p0 $0x88, s6;
	s7 =	simm.s32 @p2 $0x1082  }
0x22: {  	[simem:s7], [sflag:s8] =	dma.local @!p0 [hbm:s6], $0xF7A  }
0x23: {  	s9 =	sor.u32 $0xD0000000, s2;
	s6 =	simm.s32 $0x108;
	_ =	swait.ge @!p0 [sflag:s8], $0x0  }
0x24: {  	s3 =	sadd.s32 $0x88, s3;
	s6 =	simm.s32 @!p1 $0x1082;
	[sflag:s4] =	ssyncset.s32 $0xFFFFF086  }
0x25: {  	[simem:s6], [sflag:s4] =	dma.local [hbm:s3], $0xF7A  }
0x26: {  	[smem:$0x3F98] =	sst s1;
	(tag) =	ssettag s2;
	_ =	strace s9  }
0x27: {  	s1 =	sld [smem:$0x3FA8]  }
0x28: {  	s2 =	sld [smem:$0x3FA9]  }
0x29: {  	s4 =	sld [smem:$0x3FAB]  }
0x2a: {  	p0 =	seq.s32 s5, $0x0;
	s5 =	sld [smem:$0x3FAC]  }
0x2b: {  	s6 =	sld [smem:$0x3FAD]  }
0x2c: {  	s7 =	sld [smem:$0x3FAE]  }
0x2d: {  	s3 =	simm.s32 $0x108;
	s8 =	sld [smem:$0x3FAF]  }
0x2e: {  	s3 =	simm.s32 @!p0 $0x1082;
	s9 =	sld [smem:$0x3FB0]  }
0x2f: {  	lr =	sadd.s32 s0, s3;
	s0 =	sld [smem:$0x3FA7]  }
0x30: {  	s3 =	sld [smem:$0x3FAA]  }
0x31: {  	[smem:$0x3FB3] =	sst s10  }
0x32: {  	s10 =	sld [smem:$0x3FB1];
	_ =	sdelay $0x3  }
0x33: {  	p0 =	seq.s32 s10, $0x1;
	s10 =	sld [smem:$0x3FB3];
	_ =	sdelay $0x3  }
0x34: {  	[smem:$0x3FB3] =	sst s10  }
0x35: {  	s10 =	sld [smem:$0x3FB2];
	_ =	sdelay $0x3  }
0x36: {  	p1 =	seq.s32 s10, $0x1;
	s10 =	sld [smem:$0x3FB3];
	_ =	sdelay $0x3  }
0x37: {  	[smem:$0x3FB3] =	sst s10  }
0x38: {  	s10 =	sld [smem:$0x3FB4]  }
0x39: {  	_ = 	snop;
	(pc) =	sbr.ind lr, $3  }
0x3a: {  	_ = 	snop  }
0x3b: {  	_ = 	snop  }
0x3c: {  	p2 =	seq.s32 s10, $0x1;
	s10 =	sld [smem:$0x3FB3]  }
0x3d: {  	_ =	shalt  }
0x3e: {  	_ =	shalt  }
0x3f: {  	_ =	shalt  }
0x40: {  	_ =	shalt  }
0x41: {  	_ =	shalt  }
0x42: {  	_ =	shalt  }
0x43: {  	_ =	shalt  }
0x44: {  	_ =	shalt  }
0x45: {  	_ =	shalt  }
0x46: {  	_ =	shalt  }
0x47: {  	_ =	shalt  }
0x48: {  	_ =	shalt  }
0x49: {  	_ =	shalt  }
0x4a: {  	_ =	shalt  }
0x4b: {  	_ =	shalt  }
0x4c: {  	_ =	shalt  }
0x4d: {  	_ =	shalt  }
0x4e: {  	_ =	shalt  }
0x4f: {  	_ =	shalt  }
0x50: {  	_ =	shalt  }
0x51: {  	_ =	shalt  }
0x52: {  	_ =	shalt  }
0x53: {  	_ =	shalt  }
0x54: {  	_ =	shalt  }
0x55: {  	_ =	shalt  }
0x56: {  	_ =	shalt  }
0x57: {  	_ =	shalt  }
0x58: {  	_ =	shalt  }
0x59: {  	_ =	shalt  }
0x5a: {  	_ =	shalt  }
0x5b: {  	_ =	shalt  }
0x5c: {  	_ =	shalt  }
0x5d: {  	_ =	shalt  }
0x5e: {  	_ =	shalt  }
0x5f: {  	_ =	shalt  }
0x60: {  	_ =	shalt  }
0x61: {  	_ =	shalt  }
0x62: {  	_ =	shalt  }
0x63: {  	_ =	shalt  }
0x64: {  	_ =	shalt  }
0x65: {  	_ =	shalt  }
0x66: {  	_ =	shalt  }
0x67: {  	_ =	shalt  }
0x68: {  	_ =	shalt  }
0x69: {  	_ =	shalt  }
0x6a: {  	_ =	shalt  }
0x6b: {  	_ =	shalt  }
0x6c: {  	_ =	shalt  }
0x6d: {  	_ =	shalt  }
0x6e: {  	_ =	shalt  }
0x6f: {  	_ =	shalt  }
0x70: {  	_ =	shalt  }
0x71: {  	_ =	shalt  }
0x72: {  	_ =	shalt  }
0x73: {  	_ =	shalt  }
0x74: {  	_ =	shalt  }
0x75: {  	_ =	shalt  }
0x76: {  	_ =	shalt  }
0x77: {  	_ =	shalt  }
0x78: {  	_ =	shalt  }
0x79: {  	_ =	shalt  }
0x7a: {  	_ =	shalt  }
0x7b: {  	_ =	shalt  }
0x7c: {  	_ =	shalt  }
0x7d: {  	_ =	shalt  }
0x7e: {  	_ =	shalt  }
0x7f: {  	_ =	shalt  }
0x80: {  	_ =	shalt  }
0x81: {  	_ =	shalt  }
0x82: {  	_ =	shalt  }
0x83: {  	_ =	shalt  }
0x84: {  	_ =	shalt  }
0x85: {  	_ =	shalt  }
0x86: {  	_ =	shalt  }
0x87: {  	_ =	shalt  }
.Lfunc_end0:
.L_simem_size_0:
called_computation_lowered:
.L_overlay_start_0:
0x88: {  	s2 =	sld [smem:$0x3FD9]  }
0x89: {  	s3 =	sld [smem:$0x3FFE];
	_ =	sdelay $0x1  }
0x8a: {  	s1 =	srdreg.scid  }
0x8b: {  	s0 =	sand.u32 $0x1, s1  }
0x8c: {  	s17 =	sshll.u32 s0, $0xA;
	s2 =	sadd.s32 s3, s2  }
0x8d: {  	s2 =	sadd.s32 s2, s17  }
0x8e: {  	[smem:$0x3FBF] =	sst s2  }
0x8f: {  	_ = 	snop  }
0x90: {  	s2 =	sld [smem:$0x3FC7]  }
0x91: {  	s18 =	sld [smem:$0x3FD0];
	(tm) =	ssettm $0x1  }
0x92: {  	s4 =	sld [smem:$0x3FFB];
	_ =	sdelay $0x3  }
0x93: {  	_ =	strace s4  }
0x94: {  	s4 =	sld [smem:$0x3FFC];
	_ =	sdelay $0x3  }
0x95: {  	_ =	strace s4  }
0x96: {  	s4 =	sld [smem:$0x3FFD];
	_ =	sdelay $0x3  }
0x97: {  	_ =	strace s4  }
0x98: {  	_ =	strace $0x8FFFFFFF  }
0x99: {  	s19 =	sld [smem:$0x3FDB];
	_ =	sdelay $0x1  }
0x9a: {  	s5 =	simm.s32 $_scs_section_size  }
0x9b: {  	s6 =	simm.s32 $_size__tile_overlayer_lowered;
	s7 =	simm.s32 $_tile_overlayer_lowered  }
0x9c: {  	s22 =	simm.s32 $0x1BFF;
	s21 =	sshll.u32 s7, $0x1;
	s4 =	sadd.s32 s5, s19  }
0x9d: {  	s8 =	simm.s32 $0x0;
	s20 =	sshll.u32 s6, $0x1;
	s6 =	sadd.s32 s21, s4  }
0x9e: {  	[timem:s8], [sflag:s22] =	dma.local [hbm:s6], s20  }
0x9f: {  	_ =	swait.ge [sflag:s22], s20  }
0xa0: {  	s5 =	ssub.s32 $0x0, s20;
	[sflag:s22] =	ssyncset.done $0x0  }
0xa1: {  	[sflag:s22] =	ssyncadd.s32 s5;
	_ =	sdelay $0x1  }
0xa2: {  	s23 =	simm.s32 $0x1B8B  }
0xa3: {  	_ =	swait.ge [sflag:s23], $0x1  }
0xa4: {  	[sflag:s23] =	ssyncset.done $0x0  }
0xa5: {  	s25 =	simm.s32 $0x1B8E;
	s24 =	sld [smem:$0x3FFE];
	[sflag:s23] =	ssyncadd.s32 $0xFFFFFFFF  }
0xa6: {  	s26 =	simm.s32 $execute0_lowered;
	[smem:$0x3FD2] =	sst s25  }
0xa7: {  	s6 =	sshll.u32 s26, $0x1;
	_ =	strace $0x80000046;
	[dreg:$0x1] =	wrdreg $0xFFFFFFFF  }
0xa8: {  	s28 =	simm.s32 $_size_execute0_lowered;
	s4 =	sadd.s32 s4, s6;
	[dreg:$0x0] =	wrdreg $0x0  }
0xa9: {  	s6 =	sshll.u32 s28, $0x1;
	[dreg:$0x2] =	wrdreg s4  }
0xaa: {  	[dreg:$0x3] =	wrdreg s6  }
0xab: {  	[dreg:$0x4] =	wrdreg $0xC0  }
0xac: {  	_ =	task [dreg:s8], $0x5FFFF  }
0xad: {  	[dreg:$0x1] =	wrdreg $0xFFFFFFFF  }
0xae: {  	[dreg:$0x0] =	wrdreg $0x60  }
0xaf: {  	[dreg:$0x2] =	wrdreg s24  }
0xb0: {  	[dreg:$0x3] =	wrdreg s2  }
0xb1: {  	[dreg:$0x4] =	wrdreg s18  }
0xb2: {  	[dreg:$0x5] =	wrdreg $0x9  }
0xb3: {  	_ =	task.clear_ibuf [dreg:s8], $0x6FFFF;
	_ =	strace $0x90000046  }
0xb4: {  	s29 =	simm.s32 $0x9;
	_ =	strace $0x80000048  }
0xb5: {  	_ =	swait.ge [sflag:s29], $0x1  }
0xb6: {  	[sflag:s29] =	ssyncadd.s32 $0xFFFFFFFF  }
0xb7: {  	_ =	strace $0x90000048  }
0xb8: {  	_ =	sfence  }
0xb9: {  	s30 =	sld [smem:$0x0];
	_ =	sdelay $0x2  }
0xba: {  	s31 =	sshll.u32 s1, $0xD;
	s1 =	sshrl.u32 s1, $0x2  }
0xbb: {  	s3 =	sand.u32 $0x4000, s31;
	s1 =	sadd.s32 s1, s30  }
0xbc: {  	s0 =	sor.u32 s3, s0;
	s1 =	sshll.u32 s1, $0x11  }
0xbd: {  	s0 =	sor.u32 s1, s0  }
0xbe: {  	s0 =	sadd.s32 $0x8F2B, s0  }
0xbf: {  	[sflag:s0] =	ssyncadd.remote.s32 $0x1  }
0xc0: {  	_ =	sfence.sel $0xFFFF  }
0xc1: {  	[dreg:$0x0] =	wrdreg $0xFFFFFFFF;
	(pc) =	sbr.abs _section_cstart, $3  }
0xc2: {  	[dreg:$0x1] =	wrdreg $0xFFFFFFFF  }
0xc3: {  	_ =	task.clear_ibuf [dreg:s8], $0x2FFFF;
	_ =	strace $0x9FFFFFFF  }
0xc4: {  	(tm) =	ssettm $0x7FFFFFFF  }
0xc5: {  	_ =	shalt  }
tec
execute0_lowered:
.L_overlay_start_1:
0x0: {  	(tag) =	ssettag $0x1  }
0x1: {  	s4 =	rddreg [dreg:$0x0]  }
0x2: {  	s2 =	rddreg [dreg:$0x1]  }
0x3: {  	s1 =	srdreg.scid;
	s0 =	stileid.u32  }
0x4: {  	s5 =	rddreg [dreg:$0x2];
	s3 =	simm.s32 $0x0;
	s11 =	simm.s32 $0x1000  }
0x5: {  	s12 =	simm.s32 $0x5000;
	s13 =	simm.s32 $0x1;
	s14 =	simm.s32 $0x2  }
0x6: {  	s15 =	simm.s32 $0x0;
	s6 =	sand.u32 $0x1, s1;
	s1 =	rddreg [dreg:$0x3]  }
0x7: {  	s7 =	sshll.u32 s0, $0x1;
	[smem:$0x7FF] =	sst s3;
	s30 =	sshll.u32 s0, $0x11  }
0x8: {  	s7 =	sor.u32 s6, s7;
	s9 =	ssub.s32 $0x2, s6;
	_ =	strace $0x80000047  }
0x9: {  	s10 =	sshll.u32 s6, $0x10;
	s8 =	sshll.u32 s7, $0x9;
	s29 =	sshrl.u32 s9, $0x1  }
0xa: {  	s7 =	sshll.u32 s7, $0x10;
	s4 =	sadd.s32 s8, s4;
	s8 =	ssub.s32 s9, s29  }
0xb: {  	s9 =	sadd.s32 s30, s5;
	s5 =	sadd.s32 s5, s7;
	s4 =	sadd.s32 $0x1200, s4  }
0xc: {  	s6 =	smax.u32 s8, $0x1;
	s31 =	sadd.s32 s10, s9;
	s7 =	sadd.s32 $0xF800, s5  }
0xd: {  	s9 =	simm.s32 $0x3;
	s10 =	simm.s32 $0x80;
	s8 =	sadd.s32 $0x800, s31  }
.LBB2_1:
0xe: {  	[tilespmem:s3], [sflag:$0x3] =	stream.linear.gather [hbm4b:s4+s3], $0x1000, $0x38;
	[tilespmem:$0x9000] =	vst v63  }
0xf: {  	_ =	swait.ge [sflag:s9], $0x1000  }
0x10: {  	[sflag:s9] =	ssyncset.done $0x0  }
0x11: {  	[sflag:s9] =	ssyncadd.s32 $0xFFFFF000  }
0x12: {  	[tilespmem:s11], [sflag:$0x1] =	stream.indirect.gather [hbm4b:s2+s10], $0x80, s3, s10, $0xb8;
	[tilespmem:$0x9000] =	vst v63  }
0x13: {  	_ =	swait.ge [sflag:s13], $0x4000  }
0x14: {  	[sflag:s13] =	ssyncset.done $0x0  }
0x15: {  	[sflag:s13] =	ssyncadd.s32 $0xFFFFC000  }
0x16: {  	[tilespmem:s12], [sflag:$0x1] =	stream.indirect.gather [hbm4b:s2+s10], $0x80, s10, s10, $0xb8;
	[tilespmem:$0x9000] =	vst v63  }
0x17: {  	_ = 	snop  }
0x18: {  	[hbm4b:s5+s3] =	stream.linear.scatter [tilespmem:s11], [sflag:$0x2], $0x4000, $0x38;
	[tilespmem:$0x9000] =	vst v63  }
0x19: {  	_ =	swait.ge [sflag:s13], $0x4000  }
0x1a: {  	[sflag:s13] =	ssyncset.done $0x0  }
0x1b: {  	s16 =	simm.s32 $0x4000;
	[sflag:s13] =	ssyncadd.s32 $0xFFFFC000  }
0x1c: {  	s18 =	simm.s32 $0x100;
	s17 =	sand.u32 $0x4000, s16;
	_ =	swait.ge [sflag:s14], $0x4000  }
0x1d: {  	s19 =	smov.u32 s8;
	s16 =	sxor.u32 $0x4000, s17;
	[sflag:s14] =	ssyncset.done $0x0  }
0x1e: {  	s20 =	sor.u32 $0x1000, s17;
	s16 =	sor.u32 $0x1000, s16;
	[sflag:s14] =	ssyncadd.s32 $0xFFFFC000  }
0x1f: {  	[tilespmem:s16], [sflag:$0x1] =	stream.indirect.gather [hbm4b:s2+s10], $0x80, s18, s10, $0xb8;
	[tilespmem:$0x9000] =	vst v63  }
0x20: {  	s17 =	sadd.s32 $0x800, s8;
	s16 =	simm.s32 $0x2;
	s18 =	simm.s32 $0x180  }
.LBB2_2:
0x21: {  	[hbm4b:s19+s3] =	stream.linear.scatter [tilespmem:s20], [sflag:$0x2], $0x4000, $0x38;
	[tilespmem:$0x9000] =	vst v63  }
0x22: {  	s20 =	smov.u32 s16;
	s19 =	smov.u32 s17  }
0x23: {  	p0 =	sne.s32 s16, $0x1E;
	s16 =	sadd.s32 $0x1, s16;
	_ =	swait.ge [sflag:s13], $0x4000  }
0x24: {  	[sflag:s13] =	ssyncset.done $0x0  }
0x25: {  	s20 =	sshll.u32 s20, $0xE;
	[sflag:s13] =	ssyncadd.s32 $0xFFFFC000  }
.Ltmp0:
0x26: {  	s20 =	sand.u32 $0x4000, s20;
	_ =	swait.ge [sflag:s14], $0x4000;
	(pc) =	sbr.rel @p0 .LBB2_2-.Ltmp0, $4  }
0x27: {  	s21 =	sxor.u32 $0x4000, s20;
	[sflag:s14] =	ssyncset.done $0x0  }
0x28: {  	s21 =	sor.u32 $0x1000, s21;
	[sflag:s14] =	ssyncadd.s32 $0xFFFFC000  }
0x29: {  	[tilespmem:s21], [sflag:$0x1] =	stream.indirect.gather [hbm4b:s2+s10], $0x80, s18, s10, $0xb8;
	[tilespmem:$0x9000] =	vst v63  }
0x2a: {  	s17 =	sadd.s32 $0x800, s17;
	s20 =	sor.u32 $0x1000, s20;
	s18 =	sadd.s32 $0x80, s18  }
0x2b: {  	[hbm4b:s19+s3] =	stream.linear.scatter [tilespmem:s20], [sflag:$0x2], $0x4000, $0x38;
	[tilespmem:$0x9000] =	vst v63  }
0x2c: {  	_ =	swait.ge [sflag:s13], $0x4000  }
0x2d: {  	[sflag:s13] =	ssyncset.done $0x0  }
0x2e: {  	[sflag:s13] =	ssyncadd.s32 $0xFFFFC000  }
0x2f: {  	s15 =	sadd.s32 $0x1, s15;
	_ =	swait.ge [sflag:s14], $0x4000  }
0x30: {  	p0 =	sne.s32 s15, s6;
	[sflag:s14] =	ssyncset.done $0x0  }
.Ltmp1:
0x31: {  	[sflag:s14] =	ssyncadd.s32 $0xFFFFC000;
	(pc) =	sbr.rel @p0 .LBB2_1-.Ltmp1, $4  }
0x32: {  	[hbm4b:s7+s3] =	stream.linear.scatter [tilespmem:s12], [sflag:$0x2], $0x4000, $0x38;
	[tilespmem:$0x9000] =	vst v63  }
0x33: {  	_ =	swait.ge [sflag:s14], $0x4000  }
0x34: {  	[sflag:s14] =	ssyncset.done $0x0  }
0x35: {  	[sflag:s14] =	ssyncadd.s32 $0xFFFFC000  }
0x36: {  	_ =	sfence.sel $0x180000  }
0x37: {  	[bflag:$0x0] =	sbarrier.arrive $0xFFFF  }
0x38: {  	p0 =	sne.s32 s0, $0x0;
	_ =	strace $0x90000047  }
0x39: {  	s0 =	sadd.s32 @!p0 $0x100000, s1;
	[bflag:$0x2] =	sbarrier.arrive $0xFFFF  }
0x3a: {  	[sflag:s0] =	ssyncadd.tile.s32 @!p0 $0x1;
	_ =	shalt  }
.Lfunc_end2:
_tile_overlayer_lowered:
.L_overlay_start_2:
0x3b: {  	(tag) =	ssettag $0x2  }
0x3c: {  	s0 =	rddreg [dreg:$0x0];
	s2 =	stileid.u32  }
0x3d: {  	s1 =	rddreg [dreg:$0x1];
	p0 =	sne.s32 s2, $0x0  }
0x3e: {  	s3 =	rddreg [dreg:$0x2];
	[bflag:$0x3] =	sbarrier.arrive $0xFFFF;
	s2 =	simm.s32 @!p0 $0x1C03  }
0x3f: {  	[timem:s3], [sflag:s2] =	dma.local @!p0 [hbm:s0], s1  }
0x40: {  	s0 =	simm.s32 @!p0 $0x3  }
0x41: {  	_ =	swait.ge @!p0 [sflag:s0], s1  }
0x42: {  	s1 =	ssub.s32 @!p0 $0x0, s1;
	[sflag:s0] =	ssyncset.done @!p0 $0x0  }
0x43: {  	[sflag:s0] =	ssyncadd.s32 @!p0 s1  }
0x44: {  	[bflag:$0x3] =	sbarrier.arrive $0xFFFF  }
0x45: {  	_ =	shalt  }

</sc_bundles>
